<compile_context>
chip_gen: v7x
topology: tpu7x:2x2x1
jax: 0.10.2.dev20260603
libtpu: 0.0.44.dev20260713+nightly
codegen_flags: <defaults>
</compile_context>

<pallas_src>
import functools

import jax
import jax.numpy as jnp
from jax import lax
from jax.experimental import pallas as pl
from jax.experimental.pallas import tpu as pltpu
from jax.experimental.pallas import tpu_sc as plsc

_NCYCLE = 12
_EMBED = 128
_BATCH = 16384
_NC = 2
_NS = 16
_NW = _NC * _NS
_BPW = _BATCH // _NW
_SLAB = 128
_NSLAB = _BPW // _SLAB
_WSLAB = 128
_NWSLAB = _BPW // _WSLAB
_LANES = 16


@functools.partial(
    pl.kernel,
    mesh=plsc.VectorSubcoreMesh(core_axis_name="c", subcore_axis_name="s"),
    out_type=jax.ShapeDtypeStruct((_BATCH, _EMBED), jnp.float32),
    scratch_types=[
        pltpu.VMEM((_BPW,), jnp.float32),
        pltpu.VMEM_SHARED((_NCYCLE, _EMBED), jnp.float32),
        pltpu.VMEM((_NSLAB, _SLAB), jnp.int32),
        pltpu.VMEM((_BPW, _EMBED), jnp.float32),
        pltpu.SemaphoreType.DMA,
        pltpu.SemaphoreType.DMA,
        pltpu.SemaphoreType.DMA,
    ],
)
def _seasonal_embed(t_hbm, w_hbm, out_hbm, t_v, w_sh, idx_v, rows_v, tsem,
                    gsem, wsem):
    sid = lax.axis_index("s")
    wid = sid * _NC + lax.axis_index("c")
    base = wid * _BPW

    t_cp = pltpu.async_copy(t_hbm.at[pl.ds(base, _BPW)], t_v, tsem)

    @pl.when(sid == 0)
    def _():
        pltpu.sync_copy(w_hbm, w_sh)

    t_cp.wait()
    for c in range(_SLAB // _LANES):
        x = t_v[pl.ds(c * _LANES, _LANES)] * jnp.float32(_NCYCLE)
        x = lax.rem(x, jnp.float32(_NCYCLE))
        idx_v[0, pl.ds(c * _LANES, _LANES)] = x.astype(jnp.int32)

    plsc.subcore_barrier()

    gathers = [
        pltpu.async_copy(
            w_sh.at[idx_v.at[0]], rows_v.at[pl.ds(0, _SLAB)], gsem
        )
    ]
    for j in range(1, _NSLAB):
        for c in range(_SLAB // _LANES):
            x = t_v[pl.ds(j * _SLAB + c * _LANES, _LANES)] * jnp.float32(
                _NCYCLE)
            x = lax.rem(x, jnp.float32(_NCYCLE))
            idx_v[j, pl.ds(c * _LANES, _LANES)] = x.astype(jnp.int32)
        gathers.append(
            pltpu.async_copy(
                w_sh.at[idx_v.at[j]], rows_v.at[pl.ds(j * _SLAB, _SLAB)], gsem
            )
        )
    writes = []
    per_write = _WSLAB // _SLAB
    for k in range(_NWSLAB):
        for j in range(k * per_write, (k + 1) * per_write):
            gathers[j].wait()
        writes.append(
            pltpu.async_copy(
                rows_v.at[pl.ds(k * _WSLAB, _WSLAB)],
                out_hbm.at[pl.ds(base + k * _WSLAB, _WSLAB)],
                wsem,
            )
        )
    for cp in writes:
        cp.wait()


def kernel(t, W):
    return _seasonal_embed(t, W)

# --- scband reference (transcript-rebuilt; emitter-appended) ---
"""Pipeline reference for scband-seasonal-embedding-39754217292309 (READ-ONLY COPY).

The authoritative reference and input builder live on the scoring server;
editing this copy changes nothing except your own understanding.
"""

import jax, jax.numpy as jnp
import numpy as np

NCYCLE = 12
EMBED_DIM = 128
BATCH = 16384

def setup_inputs(seed: int = 0) -> dict:
    key = jax.random.key(seed)
    k_t, k_w = jax.random.split(key)
    t = jax.random.uniform(k_t, (BATCH,), dtype=jnp.float32)
    # learned embedding table, nn.Embedding default init ~ N(0,1)
    W = jax.random.normal(k_w, (NCYCLE, EMBED_DIM), dtype=jnp.float32)
    return {"t": t, "W": W}

def reference(t, W):
    # torch: if t.dim()==2: t = t.squeeze(-1)  (here t is 1-D already)
    # cycle_idx = (t * ncycle % ncycle).long()  -- .long() truncates toward zero
    cycle_idx = (t * NCYCLE % NCYCLE).astype(jnp.int32)
    return jnp.take(W, cycle_idx, axis=0)

if __name__ == "__main__":
    import jax
    _d = setup_inputs()
    print(jax.jit(kernel)(*tuple(_d.values())))

</pallas_src>

<mosaic_0001>
#map = affine_map<(d0, d1) -> (0)>
#map1 = affine_map<(d0, d1) -> (0, 0)>
module attributes {stable_mosaic.version = 14 : i64} {
  func.func @_seasonal_embed(%arg0: i32, %arg1: i32, %arg2: memref<16384xf32, #tpu.memory_space<hbm>>, %arg3: memref<12x128xf32, #tpu.memory_space<hbm>>, %arg4: memref<16384x128xf32, #tpu.memory_space<hbm>>, %arg5: memref<512xf32, #tpu.memory_space<vmem>>, %arg6: memref<12x128xf32, #tpu.memory_space<vmem_shared>>, %arg7: memref<4x128xi32, #tpu.memory_space<vmem>>, %arg8: memref<512x128xf32, #tpu.memory_space<vmem>>, %arg9: memref<!tpu.dma_semaphore, #tpu.memory_space<semaphore_mem>>, %arg10: memref<!tpu.dma_semaphore, #tpu.memory_space<semaphore_mem>>, %arg11: memref<!tpu.dma_semaphore, #tpu.memory_space<semaphore_mem>>) attributes {dimension_semantics = [#tpu.dimension_semantics<core_parallel>, #tpu.dimension_semantics<subcore_parallel>], iteration_bounds = array<i64: 2, 16>, scalar_prefetch = 0 : i64, scratch_operands = 7 : i64, tpu.core_type = #tpu.core_type<sc_vector_subcore>, window_params = [{transform_indices = #map}, {transform_indices = #map1}, {transform_indices = #map1}]} {
    %mul3A = arith.constant 2 : i32
    %mul3A_0 = arith.muli %arg1, %mul3A : i32
    %add3A = arith.addi %mul3A_0, %arg0 : i32
    %mul3A_1 = arith.constant 512 : i32
    %mul3A_2 = arith.muli %add3A, %mul3A_1 : i32
    %dma_start3A = tpu.memref_slice %arg2[%mul3A_2] : memref<16384xf32, #tpu.memory_space<hbm>> -> memref<512xf32, #tpu.memory_space<hbm>>
    %dma_start3A_3 = tpu.memref_slice %arg2[%mul3A_2] : memref<16384xf32, #tpu.memory_space<hbm>> -> memref<512xf32, #tpu.memory_space<hbm>>
    tpu.enqueue_dma source(%dma_start3A_3 : memref<512xf32, #tpu.memory_space<hbm>>) target(%arg5 : memref<512xf32, #tpu.memory_space<vmem>>) target_semaphore(%arg9 : memref<!tpu.dma_semaphore, #tpu.memory_space<semaphore_mem>>)
    %eq3A = arith.constant 0 : i32
    %eq3A_4 = arith.cmpi eq, %arg1, %eq3A : i32
    %convert_element_type3A = arith.extui %eq3A_4 : i1 to i32
    %cond3A = arith.constant 0 : i32
    %cond3A_5 = arith.cmpi ne, %convert_element_type3A, %cond3A : i32
    scf.if %cond3A_5 {
      "tpu.region"() ({
        %run_scoped3A = tpu.sem_alloc : memref<!tpu.dma_semaphore, #tpu.memory_space<semaphore_mem>>
        tpu.enqueue_dma source(%arg3 : memref<12x128xf32, #tpu.memory_space<hbm>>) target(%arg6 : memref<12x128xf32, #tpu.memory_space<vmem_shared>>) target_semaphore(%run_scoped3A : memref<!tpu.dma_semaphore, #tpu.memory_space<semaphore_mem>>)
        tpu.wait_dma2 semaphore(%run_scoped3A : memref<!tpu.dma_semaphore, #tpu.memory_space<semaphore_mem>>) src(%arg3 : memref<12x128xf32, #tpu.memory_space<hbm>>) dst(%arg6 : memref<12x128xf32, #tpu.memory_space<vmem_shared>>)
        tpu.yield
      }) : () -> ()
    } else {
    }
    %dma_wait3A = tpu.memref_slice %arg2[%mul3A_2] : memref<16384xf32, #tpu.memory_space<hbm>> -> memref<512xf32, #tpu.memory_space<hbm>>
    %dma_wait3A_6 = tpu.memref_slice %arg2[%mul3A_2] : memref<16384xf32, #tpu.memory_space<hbm>> -> memref<512xf32, #tpu.memory_space<hbm>>
    tpu.wait_dma2 semaphore(%arg9 : memref<!tpu.dma_semaphore, #tpu.memory_space<semaphore_mem>>) src(%dma_wait3A_6 : memref<512xf32, #tpu.memory_space<hbm>>) dst(%arg5 : memref<512xf32, #tpu.memory_space<vmem>>)
    %get3A = arith.constant 0 : index
    %get3A_7 = tpu.vector_load %arg5[%get3A] {strides = array<i32>} : memref<512xf32, #tpu.memory_space<vmem>>, vector<16xf32>,
    %get3A_8 = vector.shape_cast %get3A_7 : vector<16xf32> to vector<16xf32>
    %mul3A_9 = arith.constant 1.200000e+01 : f32
    %mul3A_10 = vector.broadcast %mul3A_9 : f32 to vector<16xf32>
    %mul3A_11 = arith.mulf %get3A_8, %mul3A_10 : vector<16xf32>
    %rem3A = arith.constant 1.200000e+01 : f32
    %rem3A_12 = vector.broadcast %rem3A : f32 to vector<16xf32>
    %rem3A_13 = arith.remf %mul3A_11, %rem3A_12 : vector<16xf32>
    %convert_element_type3A_14 = arith.fptosi %rem3A_13 : vector<16xf32> to vector<16xi32>
    %swap3A = arith.constant 0 : i32
    %swap3A_15 = arith.index_cast %swap3A : i32 to index
    %swap3A_16 = arith.constant 0 : index
    %swap3A_17 = tpu.vector_load %arg7[%swap3A_15, %swap3A_16] {strides = array<i32>} : memref<4x128xi32, #tpu.memory_space<vmem>>, vector<1x16xi32>,
    %swap3A_18 = vector.shape_cast %swap3A_17 : vector<1x16xi32> to vector<16xi32>
    %swap3A_19 = vector.shape_cast %convert_element_type3A_14 : vector<16xi32> to vector<1x16xi32>
    tpu.vector_store %arg7[%swap3A_15, %swap3A_16], %swap3A_19 {strides = array<i32>} : memref<4x128xi32, #tpu.memory_space<vmem>>, vector<1x16xi32>,
    %get3A_20 = arith.constant 16 : index
    %get3A_21 = tpu.vector_load %arg5[%get3A_20] {strides = array<i32>} : memref<512xf32, #tpu.memory_space<vmem>>, vector<16xf32>,
    %get3A_22 = vector.shape_cast %get3A_21 : vector<16xf32> to vector<16xf32>
    %mul3A_23 = arith.constant 1.200000e+01 : f32
    %mul3A_24 = vector.broadcast %mul3A_23 : f32 to vector<16xf32>
    %mul3A_25 = arith.mulf %get3A_22, %mul3A_24 : vector<16xf32>
    %rem3A_26 = arith.constant 1.200000e+01 : f32
    %rem3A_27 = vector.broadcast %rem3A_26 : f32 to vector<16xf32>
    %rem3A_28 = arith.remf %mul3A_25, %rem3A_27 : vector<16xf32>
    %convert_element_type3A_29 = arith.fptosi %rem3A_28 : vector<16xf32> to vector<16xi32>
    %swap3A_30 = arith.constant 0 : i32
    %swap3A_31 = arith.index_cast %swap3A_30 : i32 to index
    %swap3A_32 = arith.constant 16 : index
    %swap3A_33 = tpu.vector_load %arg7[%swap3A_31, %swap3A_32] {strides = array<i32>} : memref<4x128xi32, #tpu.memory_space<vmem>>, vector<1x16xi32>,
    %swap3A_34 = vector.shape_cast %swap3A_33 : vector<1x16xi32> to vector<16xi32>
    %swap3A_35 = vector.shape_cast %convert_element_type3A_29 : vector<16xi32> to vector<1x16xi32>
    tpu.vector_store %arg7[%swap3A_31, %swap3A_32], %swap3A_35 {strides = array<i32>} : memref<4x128xi32, #tpu.memory_space<vmem>>, vector<1x16xi32>,
    %get3A_36 = arith.constant 32 : index
    %get3A_37 = tpu.vector_load %arg5[%get3A_36] {strides = array<i32>} : memref<512xf32, #tpu.memory_space<vmem>>, vector<16xf32>,
    %get3A_38 = vector.shape_cast %get3A_37 : vector<16xf32> to vector<16xf32>
    %mul3A_39 = arith.constant 1.200000e+01 : f32
    %mul3A_40 = vector.broadcast %mul3A_39 : f32 to vector<16xf32>
    %mul3A_41 = arith.mulf %get3A_38, %mul3A_40 : vector<16xf32>
    %rem3A_42 = arith.constant 1.200000e+01 : f32
    %rem3A_43 = vector.broadcast %rem3A_42 : f32 to vector<16xf32>
    %rem3A_44 = arith.remf %mul3A_41, %rem3A_43 : vector<16xf32>
    %convert_element_type3A_45 = arith.fptosi %rem3A_44 : vector<16xf32> to vector<16xi32>
    %swap3A_46 = arith.constant 0 : i32
    %swap3A_47 = arith.index_cast %swap3A_46 : i32 to index
    %swap3A_48 = arith.constant 32 : index
    %swap3A_49 = tpu.vector_load %arg7[%swap3A_47, %swap3A_48] {strides = array<i32>} : memref<4x128xi32, #tpu.memory_space<vmem>>, vector<1x16xi32>,
    %swap3A_50 = vector.shape_cast %swap3A_49 : vector<1x16xi32> to vector<16xi32>
    %swap3A_51 = vector.shape_cast %convert_element_type3A_45 : vector<16xi32> to vector<1x16xi32>
    tpu.vector_store %arg7[%swap3A_47, %swap3A_48], %swap3A_51 {strides = array<i32>} : memref<4x128xi32, #tpu.memory_space<vmem>>, vector<1x16xi32>,
    %get3A_52 = arith.constant 48 : index
    %get3A_53 = tpu.vector_load %arg5[%get3A_52] {strides = array<i32>} : memref<512xf32, #tpu.memory_space<vmem>>, vector<16xf32>,
    %get3A_54 = vector.shape_cast %get3A_53 : vector<16xf32> to vector<16xf32>
    %mul3A_55 = arith.constant 1.200000e+01 : f32
    %mul3A_56 = vector.broadcast %mul3A_55 : f32 to vector<16xf32>
    %mul3A_57 = arith.mulf %get3A_54, %mul3A_56 : vector<16xf32>
    %rem3A_58 = arith.constant 1.200000e+01 : f32
    %rem3A_59 = vector.broadcast %rem3A_58 : f32 to vector<16xf32>
    %rem3A_60 = arith.remf %mul3A_57, %rem3A_59 : vector<16xf32>
    %convert_element_type3A_61 = arith.fptosi %rem3A_60 : vector<16xf32> to vector<16xi32>
    %swap3A_62 = arith.constant 0 : i32
    %swap3A_63 = arith.index_cast %swap3A_62 : i32 to index
    %swap3A_64 = arith.constant 48 : index
    %swap3A_65 = tpu.vector_load %arg7[%swap3A_63, %swap3A_64] {strides = array<i32>} : memref<4x128xi32, #tpu.memory_space<vmem>>, vector<1x16xi32>,
    %swap3A_66 = vector.shape_cast %swap3A_65 : vector<1x16xi32> to vector<16xi32>
    %swap3A_67 = vector.shape_cast %convert_element_type3A_61 : vector<16xi32> to vector<1x16xi32>
    tpu.vector_store %arg7[%swap3A_63, %swap3A_64], %swap3A_67 {strides = array<i32>} : memref<4x128xi32, #tpu.memory_space<vmem>>, vector<1x16xi32>,
    %get3A_68 = arith.constant 64 : index
    %get3A_69 = tpu.vector_load %arg5[%get3A_68] {strides = array<i32>} : memref<512xf32, #tpu.memory_space<vmem>>, vector<16xf32>,
    %get3A_70 = vector.shape_cast %get3A_69 : vector<16xf32> to vector<16xf32>
    %mul3A_71 = arith.constant 1.200000e+01 : f32
    %mul3A_72 = vector.broadcast %mul3A_71 : f32 to vector<16xf32>
    %mul3A_73 = arith.mulf %get3A_70, %mul3A_72 : vector<16xf32>
    %rem3A_74 = arith.constant 1.200000e+01 : f32
    %rem3A_75 = vector.broadcast %rem3A_74 : f32 to vector<16xf32>
    %rem3A_76 = arith.remf %mul3A_73, %rem3A_75 : vector<16xf32>
    %convert_element_type3A_77 = arith.fptosi %rem3A_76 : vector<16xf32> to vector<16xi32>
    %swap3A_78 = arith.constant 0 : i32
    %swap3A_79 = arith.index_cast %swap3A_78 : i32 to index
    %swap3A_80 = arith.constant 64 : index
    %swap3A_81 = tpu.vector_load %arg7[%swap3A_79, %swap3A_80] {strides = array<i32>} : memref<4x128xi32, #tpu.memory_space<vmem>>, vector<1x16xi32>,
    %swap3A_82 = vector.shape_cast %swap3A_81 : vector<1x16xi32> to vector<16xi32>
    %swap3A_83 = vector.shape_cast %convert_element_type3A_77 : vector<16xi32> to vector<1x16xi32>
    tpu.vector_store %arg7[%swap3A_79, %swap3A_80], %swap3A_83 {strides = array<i32>} : memref<4x128xi32, #tpu.memory_space<vmem>>, vector<1x16xi32>,
    %get3A_84 = arith.constant 80 : index
    %get3A_85 = tpu.vector_load %arg5[%get3A_84] {strides = array<i32>} : memref<512xf32, #tpu.memory_space<vmem>>, vector<16xf32>,
    %get3A_86 = vector.shape_cast %get3A_85 : vector<16xf32> to vector<16xf32>
    %mul3A_87 = arith.constant 1.200000e+01 : f32
    %mul3A_88 = vector.broadcast %mul3A_87 : f32 to vector<16xf32>
    %mul3A_89 = arith.mulf %get3A_86, %mul3A_88 : vector<16xf32>
    %rem3A_90 = arith.constant 1.200000e+01 : f32
    %rem3A_91 = vector.broadcast %rem3A_90 : f32 to vector<16xf32>
    %rem3A_92 = arith.remf %mul3A_89, %rem3A_91 : vector<16xf32>
    %convert_element_type3A_93 = arith.fptosi %rem3A_92 : vector<16xf32> to vector<16xi32>
    %swap3A_94 = arith.constant 0 : i32
    %swap3A_95 = arith.index_cast %swap3A_94 : i32 to index
    %swap3A_96 = arith.constant 80 : index
    %swap3A_97 = tpu.vector_load %arg7[%swap3A_95, %swap3A_96] {strides = array<i32>} : memref<4x128xi32, #tpu.memory_space<vmem>>, vector<1x16xi32>,
    %swap3A_98 = vector.shape_cast %swap3A_97 : vector<1x16xi32> to vector<16xi32>
    %swap3A_99 = vector.shape_cast %convert_element_type3A_93 : vector<16xi32> to vector<1x16xi32>
    tpu.vector_store %arg7[%swap3A_95, %swap3A_96], %swap3A_99 {strides = array<i32>} : memref<4x128xi32, #tpu.memory_space<vmem>>, vector<1x16xi32>,
    %get3A_100 = arith.constant 96 : index
    %get3A_101 = tpu.vector_load %arg5[%get3A_100] {strides = array<i32>} : memref<512xf32, #tpu.memory_space<vmem>>, vector<16xf32>,
    %get3A_102 = vector.shape_cast %get3A_101 : vector<16xf32> to vector<16xf32>
    %mul3A_103 = arith.constant 1.200000e+01 : f32
    %mul3A_104 = vector.broadcast %mul3A_103 : f32 to vector<16xf32>
    %mul3A_105 = arith.mulf %get3A_102, %mul3A_104 : vector<16xf32>
    %rem3A_106 = arith.constant 1.200000e+01 : f32
    %rem3A_107 = vector.broadcast %rem3A_106 : f32 to vector<16xf32>
    %rem3A_108 = arith.remf %mul3A_105, %rem3A_107 : vector<16xf32>
    %convert_element_type3A_109 = arith.fptosi %rem3A_108 : vector<16xf32> to vector<16xi32>
    %swap3A_110 = arith.constant 0 : i32
    %swap3A_111 = arith.index_cast %swap3A_110 : i32 to index
    %swap3A_112 = arith.constant 96 : index
    %swap3A_113 = tpu.vector_load %arg7[%swap3A_111, %swap3A_112] {strides = array<i32>} : memref<4x128xi32, #tpu.memory_space<vmem>>, vector<1x16xi32>,
    %swap3A_114 = vector.shape_cast %swap3A_113 : vector<1x16xi32> to vector<16xi32>
    %swap3A_115 = vector.shape_cast %convert_element_type3A_109 : vector<16xi32> to vector<1x16xi32>
    tpu.vector_store %arg7[%swap3A_111, %swap3A_112], %swap3A_115 {strides = array<i32>} : memref<4x128xi32, #tpu.memory_space<vmem>>, vector<1x16xi32>,
    %get3A_116 = arith.constant 112 : index
    %get3A_117 = tpu.vector_load %arg5[%get3A_116] {strides = array<i32>} : memref<512xf32, #tpu.memory_space<vmem>>, vector<16xf32>,
    %get3A_118 = vector.shape_cast %get3A_117 : vector<16xf32> to vector<16xf32>
    %mul3A_119 = arith.constant 1.200000e+01 : f32
    %mul3A_120 = vector.broadcast %mul3A_119 : f32 to vector<16xf32>
    %mul3A_121 = arith.mulf %get3A_118, %mul3A_120 : vector<16xf32>
    %rem3A_122 = arith.constant 1.200000e+01 : f32
    %rem3A_123 = vector.broadcast %rem3A_122 : f32 to vector<16xf32>
    %rem3A_124 = arith.remf %mul3A_121, %rem3A_123 : vector<16xf32>
    %convert_element_type3A_125 = arith.fptosi %rem3A_124 : vector<16xf32> to vector<16xi32>
    %swap3A_126 = arith.constant 0 : i32
    %swap3A_127 = arith.index_cast %swap3A_126 : i32 to index
    %swap3A_128 = arith.constant 112 : index
    %swap3A_129 = tpu.vector_load %arg7[%swap3A_127, %swap3A_128] {strides = array<i32>} : memref<4x128xi32, #tpu.memory_space<vmem>>, vector<1x16xi32>,
    %swap3A_130 = vector.shape_cast %swap3A_129 : vector<1x16xi32> to vector<16xi32>
    %swap3A_131 = vector.shape_cast %convert_element_type3A_125 : vector<16xi32> to vector<1x16xi32>
    tpu.vector_store %arg7[%swap3A_127, %swap3A_128], %swap3A_131 {strides = array<i32>} : memref<4x128xi32, #tpu.memory_space<vmem>>, vector<1x16xi32>,
    %barrier3A = arith.constant 0 : index
    tpu.barrier barrier_id(%barrier3A)
    %dma_start3A_132 = arith.constant 0 : i32
    %dma_start3A_133 = arith.constant 0 : i32
    %dma_start3A_134 = arith.constant 0 : i32
    %dma_start3A_135 = tpu.memref_slice %arg8[%dma_start3A_133, %dma_start3A_134] : memref<512x128xf32, #tpu.memory_space<vmem>> -> memref<128x128xf32, #tpu.memory_space<vmem>>
    %dma_start3A_136 = arith.constant 0 : i32
    %dma_start3A_137 = tpu.memref_slice %arg7[%dma_start3A_132, %dma_start3A_136] : memref<4x128xi32, #tpu.memory_space<vmem>> -> memref<1x128xi32, #tpu.memory_space<vmem>>
    %dma_start3A_138 = tpu.memref_squeeze %dma_start3A_137 : memref<1x128xi32, #tpu.memory_space<vmem>> -> memref<128xi32, #tpu.memory_space<vmem>>
    %dma_start3A_139 = arith.constant 0 : i32
    %dma_start3A_140 = arith.constant 0 : i32
    %dma_start3A_141 = tpu.memref_slice %arg6[%dma_start3A_139, %dma_start3A_140] : memref<12x128xf32, #tpu.memory_space<vmem_shared>> -> memref<12x128xf32, #tpu.memory_space<vmem_shared>>
    tpu.enqueue_indirect_dma source(%dma_start3A_141 : memref<12x128xf32, #tpu.memory_space<vmem_shared>>) target(%dma_start3A_135 : memref<128x128xf32, #tpu.memory_space<vmem>>) offsets(%dma_start3A_138 : memref<128xi32, #tpu.memory_space<vmem>>) semaphore(%arg10 : memref<!tpu.dma_semaphore, #tpu.memory_space<semaphore_mem>>)
    %get3A_142 = arith.constant 128 : index
    %get3A_143 = tpu.vector_load %arg5[%get3A_142] {strides = array<i32>} : memref<512xf32, #tpu.memory_space<vmem>>, vector<16xf32>,
    %get3A_144 = vector.shape_cast %get3A_143 : vector<16xf32> to vector<16xf32>
    %mul3A_145 = arith.constant 1.200000e+01 : f32
    %mul3A_146 = vector.broadcast %mul3A_145 : f32 to vector<16xf32>
    %mul3A_147 = arith.mulf %get3A_144, %mul3A_146 : vector<16xf32>
    %rem3A_148 = arith.constant 1.200000e+01 : f32
    %rem3A_149 = vector.broadcast %rem3A_148 : f32 to vector<16xf32>
    %rem3A_150 = arith.remf %mul3A_147, %rem3A_149 : vector<16xf32>
    %convert_element_type3A_151 = arith.fptosi %rem3A_150 : vector<16xf32> to vector<16xi32>
    %swap3A_152 = arith.constant 1 : i32
    %swap3A_153 = arith.index_cast %swap3A_152 : i32 to index
    %swap3A_154 = arith.constant 0 : index
    %swap3A_155 = tpu.vector_load %arg7[%swap3A_153, %swap3A_154] {strides = array<i32>} : memref<4x128xi32, #tpu.memory_space<vmem>>, vector<1x16xi32>,
    %swap3A_156 = vector.shape_cast %swap3A_155 : vector<1x16xi32> to vector<16xi32>
    %swap3A_157 = vector.shape_cast %convert_element_type3A_151 : vector<16xi32> to vector<1x16xi32>
    tpu.vector_store %arg7[%swap3A_153, %swap3A_154], %swap3A_157 {strides = array<i32>} : memref<4x128xi32, #tpu.memory_space<vmem>>, vector<1x16xi32>,
    %get3A_158 = arith.constant 144 : index
    %get3A_159 = tpu.vector_load %arg5[%get3A_158] {strides = array<i32>} : memref<512xf32, #tpu.memory_space<vmem>>, vector<16xf32>,
    %get3A_160 = vector.shape_cast %get3A_159 : vector<16xf32> to vector<16xf32>
    %mul3A_161 = arith.constant 1.200000e+01 : f32
    %mul3A_162 = vector.broadcast %mul3A_161 : f32 to vector<16xf32>
    %mul3A_163 = arith.mulf %get3A_160, %mul3A_162 : vector<16xf32>
    %rem3A_164 = arith.constant 1.200000e+01 : f32
    %rem3A_165 = vector.broadcast %rem3A_164 : f32 to vector<16xf32>
    %rem3A_166 = arith.remf %mul3A_163, %rem3A_165 : vector<16xf32>
    %convert_element_type3A_167 = arith.fptosi %rem3A_166 : vector<16xf32> to vector<16xi32>
    %swap3A_168 = arith.constant 1 : i32
    %swap3A_169 = arith.index_cast %swap3A_168 : i32 to index
    %swap3A_170 = arith.constant 16 : index
    %swap3A_171 = tpu.vector_load %arg7[%swap3A_169, %swap3A_170] {strides = array<i32>} : memref<4x128xi32, #tpu.memory_space<vmem>>, vector<1x16xi32>,
    %swap3A_172 = vector.shape_cast %swap3A_171 : vector<1x16xi32> to vector<16xi32>
    %swap3A_173 = vector.shape_cast %convert_element_type3A_167 : vector<16xi32> to vector<1x16xi32>
    tpu.vector_store %arg7[%swap3A_169, %swap3A_170], %swap3A_173 {strides = array<i32>} : memref<4x128xi32, #tpu.memory_space<vmem>>, vector<1x16xi32>,
    %get3A_174 = arith.constant 160 : index
    %get3A_175 = tpu.vector_load %arg5[%get3A_174] {strides = array<i32>} : memref<512xf32, #tpu.memory_space<vmem>>, vector<16xf32>,
    %get3A_176 = vector.shape_cast %get3A_175 : vector<16xf32> to vector<16xf32>
    %mul3A_177 = arith.constant 1.200000e+01 : f32
    %mul3A_178 = vector.broadcast %mul3A_177 : f32 to vector<16xf32>
    %mul3A_179 = arith.mulf %get3A_176, %mul3A_178 : vector<16xf32>
    %rem3A_180 = arith.constant 1.200000e+01 : f32
    %rem3A_181 = vector.broadcast %rem3A_180 : f32 to vector<16xf32>
    %rem3A_182 = arith.remf %mul3A_179, %rem3A_181 : vector<16xf32>
    %convert_element_type3A_183 = arith.fptosi %rem3A_182 : vector<16xf32> to vector<16xi32>
    %swap3A_184 = arith.constant 1 : i32
    %swap3A_185 = arith.index_cast %swap3A_184 : i32 to index
    %swap3A_186 = arith.constant 32 : index
    %swap3A_187 = tpu.vector_load %arg7[%swap3A_185, %swap3A_186] {strides = array<i32>} : memref<4x128xi32, #tpu.memory_space<vmem>>, vector<1x16xi32>,
    %swap3A_188 = vector.shape_cast %swap3A_187 : vector<1x16xi32> to vector<16xi32>
    %swap3A_189 = vector.shape_cast %convert_element_type3A_183 : vector<16xi32> to vector<1x16xi32>
    tpu.vector_store %arg7[%swap3A_185, %swap3A_186], %swap3A_189 {strides = array<i32>} : memref<4x128xi32, #tpu.memory_space<vmem>>, vector<1x16xi32>,
    %get3A_190 = arith.constant 176 : index
    %get3A_191 = tpu.vector_load %arg5[%get3A_190] {strides = array<i32>} : memref<512xf32, #tpu.memory_space<vmem>>, vector<16xf32>,
    %get3A_192 = vector.shape_cast %get3A_191 : vector<16xf32> to vector<16xf32>
    %mul3A_193 = arith.constant 1.200000e+01 : f32
    %mul3A_194 = vector.broadcast %mul3A_193 : f32 to vector<16xf32>
    %mul3A_195 = arith.mulf %get3A_192, %mul3A_194 : vector<16xf32>
    %rem3A_196 = arith.constant 1.200000e+01 : f32
    %rem3A_197 = vector.broadcast %rem3A_196 : f32 to vector<16xf32>
    %rem3A_198 = arith.remf %mul3A_195, %rem3A_197 : vector<16xf32>
    %convert_element_type3A_199 = arith.fptosi %rem3A_198 : vector<16xf32> to vector<16xi32>
    %swap3A_200 = arith.constant 1 : i32
    %swap3A_201 = arith.index_cast %swap3A_200 : i32 to index
    %swap3A_202 = arith.constant 48 : index
    %swap3A_203 = tpu.vector_load %arg7[%swap3A_201, %swap3A_202] {strides = array<i32>} : memref<4x128xi32, #tpu.memory_space<vmem>>, vector<1x16xi32>,
    %swap3A_204 = vector.shape_cast %swap3A_203 : vector<1x16xi32> to vector<16xi32>
    %swap3A_205 = vector.shape_cast %convert_element_type3A_199 : vector<16xi32> to vector<1x16xi32>
    tpu.vector_store %arg7[%swap3A_201, %swap3A_202], %swap3A_205 {strides = array<i32>} : memref<4x128xi32, #tpu.memory_space<vmem>>, vector<1x16xi32>,
    %get3A_206 = arith.constant 192 : index
    %get3A_207 = tpu.vector_load %arg5[%get3A_206] {strides = array<i32>} : memref<512xf32, #tpu.memory_space<vmem>>, vector<16xf32>,
    %get3A_208 = vector.shape_cast %get3A_207 : vector<16xf32> to vector<16xf32>
    %mul3A_209 = arith.constant 1.200000e+01 : f32
    %mul3A_210 = vector.broadcast %mul3A_209 : f32 to vector<16xf32>
    %mul3A_211 = arith.mulf %get3A_208, %mul3A_210 : vector<16xf32>
    %rem3A_212 = arith.constant 1.200000e+01 : f32
    %rem3A_213 = vector.broadcast %rem3A_212 : f32 to vector<16xf32>
    %rem3A_214 = arith.remf %mul3A_211, %rem3A_213 : vector<16xf32>
    %convert_element_type3A_215 = arith.fptosi %rem3A_214 : vector<16xf32> to vector<16xi32>
    %swap3A_216 = arith.constant 1 : i32
    %swap3A_217 = arith.index_cast %swap3A_216 : i32 to index
    %swap3A_218 = arith.constant 64 : index
    %swap3A_219 = tpu.vector_load %arg7[%swap3A_217, %swap3A_218] {strides = array<i32>} : memref<4x128xi32, #tpu.memory_space<vmem>>, vector<1x16xi32>,
    %swap3A_220 = vector.shape_cast %swap3A_219 : vector<1x16xi32> to vector<16xi32>
    %swap3A_221 = vector.shape_cast %convert_element_type3A_215 : vector<16xi32> to vector<1x16xi32>
    tpu.vector_store %arg7[%swap3A_217, %swap3A_218], %swap3A_221 {strides = array<i32>} : memref<4x128xi32, #tpu.memory_space<vmem>>, vector<1x16xi32>,
    %get3A_222 = arith.constant 208 : index
    %get3A_223 = tpu.vector_load %arg5[%get3A_222] {strides = array<i32>} : memref<512xf32, #tpu.memory_space<vmem>>, vector<16xf32>,
    %get3A_224 = vector.shape_cast %get3A_223 : vector<16xf32> to vector<16xf32>
    %mul3A_225 = arith.constant 1.200000e+01 : f32
    %mul3A_226 = vector.broadcast %mul3A_225 : f32 to vector<16xf32>
    %mul3A_227 = arith.mulf %get3A_224, %mul3A_226 : vector<16xf32>
    %rem3A_228 = arith.constant 1.200000e+01 : f32
    %rem3A_229 = vector.broadcast %rem3A_228 : f32 to vector<16xf32>
    %rem3A_230 = arith.remf %mul3A_227, %rem3A_229 : vector<16xf32>
    %convert_element_type3A_231 = arith.fptosi %rem3A_230 : vector<16xf32> to vector<16xi32>
    %swap3A_232 = arith.constant 1 : i32
    %swap3A_233 = arith.index_cast %swap3A_232 : i32 to index
    %swap3A_234 = arith.constant 80 : index
    %swap3A_235 = tpu.vector_load %arg7[%swap3A_233, %swap3A_234] {strides = array<i32>} : memref<4x128xi32, #tpu.memory_space<vmem>>, vector<1x16xi32>,
    %swap3A_236 = vector.shape_cast %swap3A_235 : vector<1x16xi32> to vector<16xi32>
    %swap3A_237 = vector.shape_cast %convert_element_type3A_231 : vector<16xi32> to vector<1x16xi32>
    tpu.vector_store %arg7[%swap3A_233, %swap3A_234], %swap3A_237 {strides = array<i32>} : memref<4x128xi32, #tpu.memory_space<vmem>>, vector<1x16xi32>,
    %get3A_238 = arith.constant 224 : index
    %get3A_239 = tpu.vector_load %arg5[%get3A_238] {strides = array<i32>} : memref<512xf32, #tpu.memory_space<vmem>>, vector<16xf32>,
    %get3A_240 = vector.shape_cast %get3A_239 : vector<16xf32> to vector<16xf32>
    %mul3A_241 = arith.constant 1.200000e+01 : f32
    %mul3A_242 = vector.broadcast %mul3A_241 : f32 to vector<16xf32>
    %mul3A_243 = arith.mulf %get3A_240, %mul3A_242 : vector<16xf32>
    %rem3A_244 = arith.constant 1.200000e+01 : f32
    %rem3A_245 = vector.broadcast %rem3A_244 : f32 to vector<16xf32>
    %rem3A_246 = arith.remf %mul3A_243, %rem3A_245 : vector<16xf32>
    %convert_element_type3A_247 = arith.fptosi %rem3A_246 : vector<16xf32> to vector<16xi32>
    %swap3A_248 = arith.constant 1 : i32
    %swap3A_249 = arith.index_cast %swap3A_248 : i32 to index
    %swap3A_250 = arith.constant 96 : index
    %swap3A_251 = tpu.vector_load %arg7[%swap3A_249, %swap3A_250] {strides = array<i32>} : memref<4x128xi32, #tpu.memory_space<vmem>>, vector<1x16xi32>,
    %swap3A_252 = vector.shape_cast %swap3A_251 : vector<1x16xi32> to vector<16xi32>
    %swap3A_253 = vector.shape_cast %convert_element_type3A_247 : vector<16xi32> to vector<1x16xi32>
    tpu.vector_store %arg7[%swap3A_249, %swap3A_250], %swap3A_253 {strides = array<i32>} : memref<4x128xi32, #tpu.memory_space<vmem>>, vector<1x16xi32>,
    %get3A_254 = arith.constant 240 : index
    %get3A_255 = tpu.vector_load %arg5[%get3A_254] {strides = array<i32>} : memref<512xf32, #tpu.memory_space<vmem>>, vector<16xf32>,
    %get3A_256 = vector.shape_cast %get3A_255 : vector<16xf32> to vector<16xf32>
    %mul3A_257 = arith.constant 1.200000e+01 : f32
    %mul3A_258 = vector.broadcast %mul3A_257 : f32 to vector<16xf32>
    %mul3A_259 = arith.mulf %get3A_256, %mul3A_258 : vector<16xf32>
    %rem3A_260 = arith.constant 1.200000e+01 : f32
    %rem3A_261 = vector.broadcast %rem3A_260 : f32 to vector<16xf32>
    %rem3A_262 = arith.remf %mul3A_259, %rem3A_261 : vector<16xf32>
    %convert_element_type3A_263 = arith.fptosi %rem3A_262 : vector<16xf32> to vector<16xi32>
    %swap3A_264 = arith.constant 1 : i32
    %swap3A_265 = arith.index_cast %swap3A_264 : i32 to index
    %swap3A_266 = arith.constant 112 : index
    %swap3A_267 = tpu.vector_load %arg7[%swap3A_265, %swap3A_266] {strides = array<i32>} : memref<4x128xi32, #tpu.memory_space<vmem>>, vector<1x16xi32>,
    %swap3A_268 = vector.shape_cast %swap3A_267 : vector<1x16xi32> to vector<16xi32>
    %swap3A_269 = vector.shape_cast %convert_element_type3A_263 : vector<16xi32> to vector<1x16xi32>
    tpu.vector_store %arg7[%swap3A_265, %swap3A_266], %swap3A_269 {strides = array<i32>} : memref<4x128xi32, #tpu.memory_space<vmem>>, vector<1x16xi32>,
    %dma_start3A_270 = arith.constant 1 : i32
    %dma_start3A_271 = arith.constant 128 : i32
    %dma_start3A_272 = arith.constant 0 : i32
    %dma_start3A_273 = tpu.memref_slice %arg8[%dma_start3A_271, %dma_start3A_272] : memref<512x128xf32, #tpu.memory_space<vmem>> -> memref<128x128xf32, #tpu.memory_space<vmem>>
    %dma_start3A_274 = arith.constant 0 : i32
    %dma_start3A_275 = tpu.memref_slice %arg7[%dma_start3A_270, %dma_start3A_274] : memref<4x128xi32, #tpu.memory_space<vmem>> -> memref<1x128xi32, #tpu.memory_space<vmem>>
    %dma_start3A_276 = tpu.memref_squeeze %dma_start3A_275 : memref<1x128xi32, #tpu.memory_space<vmem>> -> memref<128xi32, #tpu.memory_space<vmem>>
    %dma_start3A_277 = arith.constant 0 : i32
    %dma_start3A_278 = arith.constant 0 : i32
    %dma_start3A_279 = tpu.memref_slice %arg6[%dma_start3A_277, %dma_start3A_278] : memref<12x128xf32, #tpu.memory_space<vmem_shared>> -> memref<12x128xf32, #tpu.memory_space<vmem_shared>>
    tpu.enqueue_indirect_dma source(%dma_start3A_279 : memref<12x128xf32, #tpu.memory_space<vmem_shared>>) target(%dma_start3A_273 : memref<128x128xf32, #tpu.memory_space<vmem>>) offsets(%dma_start3A_276 : memref<128xi32, #tpu.memory_space<vmem>>) semaphore(%arg10 : memref<!tpu.dma_semaphore, #tpu.memory_space<semaphore_mem>>)
    %get3A_280 = arith.constant 256 : index
    %get3A_281 = tpu.vector_load %arg5[%get3A_280] {strides = array<i32>} : memref<512xf32, #tpu.memory_space<vmem>>, vector<16xf32>,
    %get3A_282 = vector.shape_cast %get3A_281 : vector<16xf32> to vector<16xf32>
    %mul3A_283 = arith.constant 1.200000e+01 : f32
    %mul3A_284 = vector.broadcast %mul3A_283 : f32 to vector<16xf32>
    %mul3A_285 = arith.mulf %get3A_282, %mul3A_284 : vector<16xf32>
    %rem3A_286 = arith.constant 1.200000e+01 : f32
    %rem3A_287 = vector.broadcast %rem3A_286 : f32 to vector<16xf32>
    %rem3A_288 = arith.remf %mul3A_285, %rem3A_287 : vector<16xf32>
    %convert_element_type3A_289 = arith.fptosi %rem3A_288 : vector<16xf32> to vector<16xi32>
    %swap3A_290 = arith.constant 2 : i32
    %swap3A_291 = arith.index_cast %swap3A_290 : i32 to index
    %swap3A_292 = arith.constant 0 : index
    %swap3A_293 = tpu.vector_load %arg7[%swap3A_291, %swap3A_292] {strides = array<i32>} : memref<4x128xi32, #tpu.memory_space<vmem>>, vector<1x16xi32>,
    %swap3A_294 = vector.shape_cast %swap3A_293 : vector<1x16xi32> to vector<16xi32>
    %swap3A_295 = vector.shape_cast %convert_element_type3A_289 : vector<16xi32> to vector<1x16xi32>
    tpu.vector_store %arg7[%swap3A_291, %swap3A_292], %swap3A_295 {strides = array<i32>} : memref<4x128xi32, #tpu.memory_space<vmem>>, vector<1x16xi32>,
    %get3A_296 = arith.constant 272 : index
    %get3A_297 = tpu.vector_load %arg5[%get3A_296] {strides = array<i32>} : memref<512xf32, #tpu.memory_space<vmem>>, vector<16xf32>,
    %get3A_298 = vector.shape_cast %get3A_297 : vector<16xf32> to vector<16xf32>
    %mul3A_299 = arith.constant 1.200000e+01 : f32
    %mul3A_300 = vector.broadcast %mul3A_299 : f32 to vector<16xf32>
    %mul3A_301 = arith.mulf %get3A_298, %mul3A_300 : vector<16xf32>
    %rem3A_302 = arith.constant 1.200000e+01 : f32
    %rem3A_303 = vector.broadcast %rem3A_302 : f32 to vector<16xf32>
    %rem3A_304 = arith.remf %mul3A_301, %rem3A_303 : vector<16xf32>
    %convert_element_type3A_305 = arith.fptosi %rem3A_304 : vector<16xf32> to vector<16xi32>
    %swap3A_306 = arith.constant 2 : i32
    %swap3A_307 = arith.index_cast %swap3A_306 : i32 to index
    %swap3A_308 = arith.constant 16 : index
    %swap3A_309 = tpu.vector_load %arg7[%swap3A_307, %swap3A_308] {strides = array<i32>} : memref<4x128xi32, #tpu.memory_space<vmem>>, vector<1x16xi32>,
    %swap3A_310 = vector.shape_cast %swap3A_309 : vector<1x16xi32> to vector<16xi32>
    %swap3A_311 = vector.shape_cast %convert_element_type3A_305 : vector<16xi32> to vector<1x16xi32>
    tpu.vector_store %arg7[%swap3A_307, %swap3A_308], %swap3A_311 {strides = array<i32>} : memref<4x128xi32, #tpu.memory_space<vmem>>, vector<1x16xi32>,
    %get3A_312 = arith.constant 288 : index
    %get3A_313 = tpu.vector_load %arg5[%get3A_312] {strides = array<i32>} : memref<512xf32, #tpu.memory_space<vmem>>, vector<16xf32>,
    %get3A_314 = vector.shape_cast %get3A_313 : vector<16xf32> to vector<16xf32>
    %mul3A_315 = arith.constant 1.200000e+01 : f32
    %mul3A_316 = vector.broadcast %mul3A_315 : f32 to vector<16xf32>
    %mul3A_317 = arith.mulf %get3A_314, %mul3A_316 : vector<16xf32>
    %rem3A_318 = arith.constant 1.200000e+01 : f32
    %rem3A_319 = vector.broadcast %rem3A_318 : f32 to vector<16xf32>
    %rem3A_320 = arith.remf %mul3A_317, %rem3A_319 : vector<16xf32>
    %convert_element_type3A_321 = arith.fptosi %rem3A_320 : vector<16xf32> to vector<16xi32>
    %swap3A_322 = arith.constant 2 : i32
    %swap3A_323 = arith.index_cast %swap3A_322 : i32 to index
    %swap3A_324 = arith.constant 32 : index
    %swap3A_325 = tpu.vector_load %arg7[%swap3A_323, %swap3A_324] {strides = array<i32>} : memref<4x128xi32, #tpu.memory_space<vmem>>, vector<1x16xi32>,
    %swap3A_326 = vector.shape_cast %swap3A_325 : vector<1x16xi32> to vector<16xi32>
    %swap3A_327 = vector.shape_cast %convert_element_type3A_321 : vector<16xi32> to vector<1x16xi32>
    tpu.vector_store %arg7[%swap3A_323, %swap3A_324], %swap3A_327 {strides = array<i32>} : memref<4x128xi32, #tpu.memory_space<vmem>>, vector<1x16xi32>,
    %get3A_328 = arith.constant 304 : index
    %get3A_329 = tpu.vector_load %arg5[%get3A_328] {strides = array<i32>} : memref<512xf32, #tpu.memory_space<vmem>>, vector<16xf32>,
    %get3A_330 = vector.shape_cast %get3A_329 : vector<16xf32> to vector<16xf32>
    %mul3A_331 = arith.constant 1.200000e+01 : f32
    %mul3A_332 = vector.broadcast %mul3A_331 : f32 to vector<16xf32>
    %mul3A_333 = arith.mulf %get3A_330, %mul3A_332 : vector<16xf32>
    %rem3A_334 = arith.constant 1.200000e+01 : f32
    %rem3A_335 = vector.broadcast %rem3A_334 : f32 to vector<16xf32>
    %rem3A_336 = arith.remf %mul3A_333, %rem3A_335 : vector<16xf32>
    %convert_element_type3A_337 = arith.fptosi %rem3A_336 : vector<16xf32> to vector<16xi32>
    %swap3A_338 = arith.constant 2 : i32
    %swap3A_339 = arith.index_cast %swap3A_338 : i32 to index
    %swap3A_340 = arith.constant 48 : index
    %swap3A_341 = tpu.vector_load %arg7[%swap3A_339, %swap3A_340] {strides = array<i32>} : memref<4x128xi32, #tpu.memory_space<vmem>>, vector<1x16xi32>,
    %swap3A_342 = vector.shape_cast %swap3A_341 : vector<1x16xi32> to vector<16xi32>
    %swap3A_343 = vector.shape_cast %convert_element_type3A_337 : vector<16xi32> to vector<1x16xi32>
    tpu.vector_store %arg7[%swap3A_339, %swap3A_340], %swap3A_343 {strides = array<i32>} : memref<4x128xi32, #tpu.memory_space<vmem>>, vector<1x16xi32>,
    %get3A_344 = arith.constant 320 : index
    %get3A_345 = tpu.vector_load %arg5[%get3A_344] {strides = array<i32>} : memref<512xf32, #tpu.memory_space<vmem>>, vector<16xf32>,
    %get3A_346 = vector.shape_cast %get3A_345 : vector<16xf32> to vector<16xf32>
    %mul3A_347 = arith.constant 1.200000e+01 : f32
    %mul3A_348 = vector.broadcast %mul3A_347 : f32 to vector<16xf32>
    %mul3A_349 = arith.mulf %get3A_346, %mul3A_348 : vector<16xf32>
    %rem3A_350 = arith.constant 1.200000e+01 : f32
    %rem3A_351 = vector.broadcast %rem3A_350 : f32 to vector<16xf32>
    %rem3A_352 = arith.remf %mul3A_349, %rem3A_351 : vector<16xf32>
    %convert_element_type3A_353 = arith.fptosi %rem3A_352 : vector<16xf32> to vector<16xi32>
    %swap3A_354 = arith.constant 2 : i32
    %swap3A_355 = arith.index_cast %swap3A_354 : i32 to index
    %swap3A_356 = arith.constant 64 : index
    %swap3A_357 = tpu.vector_load %arg7[%swap3A_355, %swap3A_356] {strides = array<i32>} : memref<4x128xi32, #tpu.memory_space<vmem>>, vector<1x16xi32>,
    %swap3A_358 = vector.shape_cast %swap3A_357 : vector<1x16xi32> to vector<16xi32>
    %swap3A_359 = vector.shape_cast %convert_element_type3A_353 : vector<16xi32> to vector<1x16xi32>
    tpu.vector_store %arg7[%swap3A_355, %swap3A_356], %swap3A_359 {strides = array<i32>} : memref<4x128xi32, #tpu.memory_space<vmem>>, vector<1x16xi32>,
    %get3A_360 = arith.constant 336 : index
    %get3A_361 = tpu.vector_load %arg5[%get3A_360] {strides = array<i32>} : memref<512xf32, #tpu.memory_space<vmem>>, vector<16xf32>,
    %get3A_362 = vector.shape_cast %get3A_361 : vector<16xf32> to vector<16xf32>
    %mul3A_363 = arith.constant 1.200000e+01 : f32
    %mul3A_364 = vector.broadcast %mul3A_363 : f32 to vector<16xf32>
    %mul3A_365 = arith.mulf %get3A_362, %mul3A_364 : vector<16xf32>
    %rem3A_366 = arith.constant 1.200000e+01 : f32
    %rem3A_367 = vector.broadcast %rem3A_366 : f32 to vector<16xf32>
    %rem3A_368 = arith.remf %mul3A_365, %rem3A_367 : vector<16xf32>
    %convert_element_type3A_369 = arith.fptosi %rem3A_368 : vector<16xf32> to vector<16xi32>
    %swap3A_370 = arith.constant 2 : i32
    %swap3A_371 = arith.index_cast %swap3A_370 : i32 to index
    %swap3A_372 = arith.constant 80 : index
    %swap3A_373 = tpu.vector_load %arg7[%swap3A_371, %swap3A_372] {strides = array<i32>} : memref<4x128xi32, #tpu.memory_space<vmem>>, vector<1x16xi32>,
    %swap3A_374 = vector.shape_cast %swap3A_373 : vector<1x16xi32> to vector<16xi32>
    %swap3A_375 = vector.shape_cast %convert_element_type3A_369 : vector<16xi32> to vector<1x16xi32>
    tpu.vector_store %arg7[%swap3A_371, %swap3A_372], %swap3A_375 {strides = array<i32>} : memref<4x128xi32, #tpu.memory_space<vmem>>, vector<1x16xi32>,
    %get3A_376 = arith.constant 352 : index
    %get3A_377 = tpu.vector_load %arg5[%get3A_376] {strides = array<i32>} : memref<512xf32, #tpu.memory_space<vmem>>, vector<16xf32>,
    %get3A_378 = vector.shape_cast %get3A_377 : vector<16xf32> to vector<16xf32>
    %mul3A_379 = arith.constant 1.200000e+01 : f32
    %mul3A_380 = vector.broadcast %mul3A_379 : f32 to vector<16xf32>
    %mul3A_381 = arith.mulf %get3A_378, %mul3A_380 : vector<16xf32>
    %rem3A_382 = arith.constant 1.200000e+01 : f32
    %rem3A_383 = vector.broadcast %rem3A_382 : f32 to vector<16xf32>
    %rem3A_384 = arith.remf %mul3A_381, %rem3A_383 : vector<16xf32>
    %convert_element_type3A_385 = arith.fptosi %rem3A_384 : vector<16xf32> to vector<16xi32>
    %swap3A_386 = arith.constant 2 : i32
    %swap3A_387 = arith.index_cast %swap3A_386 : i32 to index
    %swap3A_388 = arith.constant 96 : index
    %swap3A_389 = tpu.vector_load %arg7[%swap3A_387, %swap3A_388] {strides = array<i32>} : memref<4x128xi32, #tpu.memory_space<vmem>>, vector<1x16xi32>,
    %swap3A_390 = vector.shape_cast %swap3A_389 : vector<1x16xi32> to vector<16xi32>
    %swap3A_391 = vector.shape_cast %convert_element_type3A_385 : vector<16xi32> to vector<1x16xi32>
    tpu.vector_store %arg7[%swap3A_387, %swap3A_388], %swap3A_391 {strides = array<i32>} : memref<4x128xi32, #tpu.memory_space<vmem>>, vector<1x16xi32>,
    %get3A_392 = arith.constant 368 : index
    %get3A_393 = tpu.vector_load %arg5[%get3A_392] {strides = array<i32>} : memref<512xf32, #tpu.memory_space<vmem>>, vector<16xf32>,
    %get3A_394 = vector.shape_cast %get3A_393 : vector<16xf32> to vector<16xf32>
    %mul3A_395 = arith.constant 1.200000e+01 : f32
    %mul3A_396 = vector.broadcast %mul3A_395 : f32 to vector<16xf32>
    %mul3A_397 = arith.mulf %get3A_394, %mul3A_396 : vector<16xf32>
    %rem3A_398 = arith.constant 1.200000e+01 : f32
    %rem3A_399 = vector.broadcast %rem3A_398 : f32 to vector<16xf32>
    %rem3A_400 = arith.remf %mul3A_397, %rem3A_399 : vector<16xf32>
    %convert_element_type3A_401 = arith.fptosi %rem3A_400 : vector<16xf32> to vector<16xi32>
    %swap3A_402 = arith.constant 2 : i32
    %swap3A_403 = arith.index_cast %swap3A_402 : i32 to index
    %swap3A_404 = arith.constant 112 : index
    %swap3A_405 = tpu.vector_load %arg7[%swap3A_403, %swap3A_404] {strides = array<i32>} : memref<4x128xi32, #tpu.memory_space<vmem>>, vector<1x16xi32>,
    %swap3A_406 = vector.shape_cast %swap3A_405 : vector<1x16xi32> to vector<16xi32>
    %swap3A_407 = vector.shape_cast %convert_element_type3A_401 : vector<16xi32> to vector<1x16xi32>
    tpu.vector_store %arg7[%swap3A_403, %swap3A_404], %swap3A_407 {strides = array<i32>} : memref<4x128xi32, #tpu.memory_space<vmem>>, vector<1x16xi32>,
    %dma_start3A_408 = arith.constant 2 : i32
    %dma_start3A_409 = arith.constant 256 : i32
    %dma_start3A_410 = arith.constant 0 : i32
    %dma_start3A_411 = tpu.memref_slice %arg8[%dma_start3A_409, %dma_start3A_410] : memref<512x128xf32, #tpu.memory_space<vmem>> -> memref<128x128xf32, #tpu.memory_space<vmem>>
    %dma_start3A_412 = arith.constant 0 : i32
    %dma_start3A_413 = tpu.memref_slice %arg7[%dma_start3A_408, %dma_start3A_412] : memref<4x128xi32, #tpu.memory_space<vmem>> -> memref<1x128xi32, #tpu.memory_space<vmem>>
    %dma_start3A_414 = tpu.memref_squeeze %dma_start3A_413 : memref<1x128xi32, #tpu.memory_space<vmem>> -> memref<128xi32, #tpu.memory_space<vmem>>
    %dma_start3A_415 = arith.constant 0 : i32
    %dma_start3A_416 = arith.constant 0 : i32
    %dma_start3A_417 = tpu.memref_slice %arg6[%dma_start3A_415, %dma_start3A_416] : memref<12x128xf32, #tpu.memory_space<vmem_shared>> -> memref<12x128xf32, #tpu.memory_space<vmem_shared>>
    tpu.enqueue_indirect_dma source(%dma_start3A_417 : memref<12x128xf32, #tpu.memory_space<vmem_shared>>) target(%dma_start3A_411 : memref<128x128xf32, #tpu.memory_space<vmem>>) offsets(%dma_start3A_414 : memref<128xi32, #tpu.memory_space<vmem>>) semaphore(%arg10 : memref<!tpu.dma_semaphore, #tpu.memory_space<semaphore_mem>>)
    %get3A_418 = arith.constant 384 : index
    %get3A_419 = tpu.vector_load %arg5[%get3A_418] {strides = array<i32>} : memref<512xf32, #tpu.memory_space<vmem>>, vector<16xf32>,
    %get3A_420 = vector.shape_cast %get3A_419 : vector<16xf32> to vector<16xf32>
    %mul3A_421 = arith.constant 1.200000e+01 : f32
    %mul3A_422 = vector.broadcast %mul3A_421 : f32 to vector<16xf32>
    %mul3A_423 = arith.mulf %get3A_420, %mul3A_422 : vector<16xf32>
    %rem3A_424 = arith.constant 1.200000e+01 : f32
    %rem3A_425 = vector.broadcast %rem3A_424 : f32 to vector<16xf32>
    %rem3A_426 = arith.remf %mul3A_423, %rem3A_425 : vector<16xf32>
    %convert_element_type3A_427 = arith.fptosi %rem3A_426 : vector<16xf32> to vector<16xi32>
    %swap3A_428 = arith.constant 3 : i32
    %swap3A_429 = arith.index_cast %swap3A_428 : i32 to index
    %swap3A_430 = arith.constant 0 : index
    %swap3A_431 = tpu.vector_load %arg7[%swap3A_429, %swap3A_430] {strides = array<i32>} : memref<4x128xi32, #tpu.memory_space<vmem>>, vector<1x16xi32>,
    %swap3A_432 = vector.shape_cast %swap3A_431 : vector<1x16xi32> to vector<16xi32>
    %swap3A_433 = vector.shape_cast %convert_element_type3A_427 : vector<16xi32> to vector<1x16xi32>
    tpu.vector_store %arg7[%swap3A_429, %swap3A_430], %swap3A_433 {strides = array<i32>} : memref<4x128xi32, #tpu.memory_space<vmem>>, vector<1x16xi32>,
    %get3A_434 = arith.constant 400 : index
    %get3A_435 = tpu.vector_load %arg5[%get3A_434] {strides = array<i32>} : memref<512xf32, #tpu.memory_space<vmem>>, vector<16xf32>,
    %get3A_436 = vector.shape_cast %get3A_435 : vector<16xf32> to vector<16xf32>
    %mul3A_437 = arith.constant 1.200000e+01 : f32
    %mul3A_438 = vector.broadcast %mul3A_437 : f32 to vector<16xf32>
    %mul3A_439 = arith.mulf %get3A_436, %mul3A_438 : vector<16xf32>
    %rem3A_440 = arith.constant 1.200000e+01 : f32
    %rem3A_441 = vector.broadcast %rem3A_440 : f32 to vector<16xf32>
    %rem3A_442 = arith.remf %mul3A_439, %rem3A_441 : vector<16xf32>
    %convert_element_type3A_443 = arith.fptosi %rem3A_442 : vector<16xf32> to vector<16xi32>
    %swap3A_444 = arith.constant 3 : i32
    %swap3A_445 = arith.index_cast %swap3A_444 : i32 to index
    %swap3A_446 = arith.constant 16 : index
    %swap3A_447 = tpu.vector_load %arg7[%swap3A_445, %swap3A_446] {strides = array<i32>} : memref<4x128xi32, #tpu.memory_space<vmem>>, vector<1x16xi32>,
    %swap3A_448 = vector.shape_cast %swap3A_447 : vector<1x16xi32> to vector<16xi32>
    %swap3A_449 = vector.shape_cast %convert_element_type3A_443 : vector<16xi32> to vector<1x16xi32>
    tpu.vector_store %arg7[%swap3A_445, %swap3A_446], %swap3A_449 {strides = array<i32>} : memref<4x128xi32, #tpu.memory_space<vmem>>, vector<1x16xi32>,
    %get3A_450 = arith.constant 416 : index
    %get3A_451 = tpu.vector_load %arg5[%get3A_450] {strides = array<i32>} : memref<512xf32, #tpu.memory_space<vmem>>, vector<16xf32>,
    %get3A_452 = vector.shape_cast %get3A_451 : vector<16xf32> to vector<16xf32>
    %mul3A_453 = arith.constant 1.200000e+01 : f32
    %mul3A_454 = vector.broadcast %mul3A_453 : f32 to vector<16xf32>
    %mul3A_455 = arith.mulf %get3A_452, %mul3A_454 : vector<16xf32>
    %rem3A_456 = arith.constant 1.200000e+01 : f32
    %rem3A_457 = vector.broadcast %rem3A_456 : f32 to vector<16xf32>
    %rem3A_458 = arith.remf %mul3A_455, %rem3A_457 : vector<16xf32>
    %convert_element_type3A_459 = arith.fptosi %rem3A_458 : vector<16xf32> to vector<16xi32>
    %swap3A_460 = arith.constant 3 : i32
    %swap3A_461 = arith.index_cast %swap3A_460 : i32 to index
    %swap3A_462 = arith.constant 32 : index
    %swap3A_463 = tpu.vector_load %arg7[%swap3A_461, %swap3A_462] {strides = array<i32>} : memref<4x128xi32, #tpu.memory_space<vmem>>, vector<1x16xi32>,
    %swap3A_464 = vector.shape_cast %swap3A_463 : vector<1x16xi32> to vector<16xi32>
    %swap3A_465 = vector.shape_cast %convert_element_type3A_459 : vector<16xi32> to vector<1x16xi32>
    tpu.vector_store %arg7[%swap3A_461, %swap3A_462], %swap3A_465 {strides = array<i32>} : memref<4x128xi32, #tpu.memory_space<vmem>>, vector<1x16xi32>,
    %get3A_466 = arith.constant 432 : index
    %get3A_467 = tpu.vector_load %arg5[%get3A_466] {strides = array<i32>} : memref<512xf32, #tpu.memory_space<vmem>>, vector<16xf32>,
    %get3A_468 = vector.shape_cast %get3A_467 : vector<16xf32> to vector<16xf32>
    %mul3A_469 = arith.constant 1.200000e+01 : f32
    %mul3A_470 = vector.broadcast %mul3A_469 : f32 to vector<16xf32>
    %mul3A_471 = arith.mulf %get3A_468, %mul3A_470 : vector<16xf32>
    %rem3A_472 = arith.constant 1.200000e+01 : f32
    %rem3A_473 = vector.broadcast %rem3A_472 : f32 to vector<16xf32>
    %rem3A_474 = arith.remf %mul3A_471, %rem3A_473 : vector<16xf32>
    %convert_element_type3A_475 = arith.fptosi %rem3A_474 : vector<16xf32> to vector<16xi32>
    %swap3A_476 = arith.constant 3 : i32
    %swap3A_477 = arith.index_cast %swap3A_476 : i32 to index
    %swap3A_478 = arith.constant 48 : index
    %swap3A_479 = tpu.vector_load %arg7[%swap3A_477, %swap3A_478] {strides = array<i32>} : memref<4x128xi32, #tpu.memory_space<vmem>>, vector<1x16xi32>,
    %swap3A_480 = vector.shape_cast %swap3A_479 : vector<1x16xi32> to vector<16xi32>
    %swap3A_481 = vector.shape_cast %convert_element_type3A_475 : vector<16xi32> to vector<1x16xi32>
    tpu.vector_store %arg7[%swap3A_477, %swap3A_478], %swap3A_481 {strides = array<i32>} : memref<4x128xi32, #tpu.memory_space<vmem>>, vector<1x16xi32>,
    %get3A_482 = arith.constant 448 : index
    %get3A_483 = tpu.vector_load %arg5[%get3A_482] {strides = array<i32>} : memref<512xf32, #tpu.memory_space<vmem>>, vector<16xf32>,
    %get3A_484 = vector.shape_cast %get3A_483 : vector<16xf32> to vector<16xf32>
    %mul3A_485 = arith.constant 1.200000e+01 : f32
    %mul3A_486 = vector.broadcast %mul3A_485 : f32 to vector<16xf32>
    %mul3A_487 = arith.mulf %get3A_484, %mul3A_486 : vector<16xf32>
    %rem3A_488 = arith.constant 1.200000e+01 : f32
    %rem3A_489 = vector.broadcast %rem3A_488 : f32 to vector<16xf32>
    %rem3A_490 = arith.remf %mul3A_487, %rem3A_489 : vector<16xf32>
    %convert_element_type3A_491 = arith.fptosi %rem3A_490 : vector<16xf32> to vector<16xi32>
    %swap3A_492 = arith.constant 3 : i32
    %swap3A_493 = arith.index_cast %swap3A_492 : i32 to index
    %swap3A_494 = arith.constant 64 : index
    %swap3A_495 = tpu.vector_load %arg7[%swap3A_493, %swap3A_494] {strides = array<i32>} : memref<4x128xi32, #tpu.memory_space<vmem>>, vector<1x16xi32>,
    %swap3A_496 = vector.shape_cast %swap3A_495 : vector<1x16xi32> to vector<16xi32>
    %swap3A_497 = vector.shape_cast %convert_element_type3A_491 : vector<16xi32> to vector<1x16xi32>
    tpu.vector_store %arg7[%swap3A_493, %swap3A_494], %swap3A_497 {strides = array<i32>} : memref<4x128xi32, #tpu.memory_space<vmem>>, vector<1x16xi32>,
    %get3A_498 = arith.constant 464 : index
    %get3A_499 = tpu.vector_load %arg5[%get3A_498] {strides = array<i32>} : memref<512xf32, #tpu.memory_space<vmem>>, vector<16xf32>,
    %get3A_500 = vector.shape_cast %get3A_499 : vector<16xf32> to vector<16xf32>
    %mul3A_501 = arith.constant 1.200000e+01 : f32
    %mul3A_502 = vector.broadcast %mul3A_501 : f32 to vector<16xf32>
    %mul3A_503 = arith.mulf %get3A_500, %mul3A_502 : vector<16xf32>
    %rem3A_504 = arith.constant 1.200000e+01 : f32
    %rem3A_505 = vector.broadcast %rem3A_504 : f32 to vector<16xf32>
    %rem3A_506 = arith.remf %mul3A_503, %rem3A_505 : vector<16xf32>
    %convert_element_type3A_507 = arith.fptosi %rem3A_506 : vector<16xf32> to vector<16xi32>
    %swap3A_508 = arith.constant 3 : i32
    %swap3A_509 = arith.index_cast %swap3A_508 : i32 to index
    %swap3A_510 = arith.constant 80 : index
    %swap3A_511 = tpu.vector_load %arg7[%swap3A_509, %swap3A_510] {strides = array<i32>} : memref<4x128xi32, #tpu.memory_space<vmem>>, vector<1x16xi32>,
    %swap3A_512 = vector.shape_cast %swap3A_511 : vector<1x16xi32> to vector<16xi32>
    %swap3A_513 = vector.shape_cast %convert_element_type3A_507 : vector<16xi32> to vector<1x16xi32>
    tpu.vector_store %arg7[%swap3A_509, %swap3A_510], %swap3A_513 {strides = array<i32>} : memref<4x128xi32, #tpu.memory_space<vmem>>, vector<1x16xi32>,
    %get3A_514 = arith.constant 480 : index
    %get3A_515 = tpu.vector_load %arg5[%get3A_514] {strides = array<i32>} : memref<512xf32, #tpu.memory_space<vmem>>, vector<16xf32>,
    %get3A_516 = vector.shape_cast %get3A_515 : vector<16xf32> to vector<16xf32>
    %mul3A_517 = arith.constant 1.200000e+01 : f32
    %mul3A_518 = vector.broadcast %mul3A_517 : f32 to vector<16xf32>
    %mul3A_519 = arith.mulf %get3A_516, %mul3A_518 : vector<16xf32>
    %rem3A_520 = arith.constant 1.200000e+01 : f32
    %rem3A_521 = vector.broadcast %rem3A_520 : f32 to vector<16xf32>
    %rem3A_522 = arith.remf %mul3A_519, %rem3A_521 : vector<16xf32>
    %convert_element_type3A_523 = arith.fptosi %rem3A_522 : vector<16xf32> to vector<16xi32>
    %swap3A_524 = arith.constant 3 : i32
    %swap3A_525 = arith.index_cast %swap3A_524 : i32 to index
    %swap3A_526 = arith.constant 96 : index
    %swap3A_527 = tpu.vector_load %arg7[%swap3A_525, %swap3A_526] {strides = array<i32>} : memref<4x128xi32, #tpu.memory_space<vmem>>, vector<1x16xi32>,
    %swap3A_528 = vector.shape_cast %swap3A_527 : vector<1x16xi32> to vector<16xi32>
    %swap3A_529 = vector.shape_cast %convert_element_type3A_523 : vector<16xi32> to vector<1x16xi32>
    tpu.vector_store %arg7[%swap3A_525, %swap3A_526], %swap3A_529 {strides = array<i32>} : memref<4x128xi32, #tpu.memory_space<vmem>>, vector<1x16xi32>,
    %get3A_530 = arith.constant 496 : index
    %get3A_531 = tpu.vector_load %arg5[%get3A_530] {strides = array<i32>} : memref<512xf32, #tpu.memory_space<vmem>>, vector<16xf32>,
    %get3A_532 = vector.shape_cast %get3A_531 : vector<16xf32> to vector<16xf32>
    %mul3A_533 = arith.constant 1.200000e+01 : f32
    %mul3A_534 = vector.broadcast %mul3A_533 : f32 to vector<16xf32>
    %mul3A_535 = arith.mulf %get3A_532, %mul3A_534 : vector<16xf32>
    %rem3A_536 = arith.constant 1.200000e+01 : f32
    %rem3A_537 = vector.broadcast %rem3A_536 : f32 to vector<16xf32>
    %rem3A_538 = arith.remf %mul3A_535, %rem3A_537 : vector<16xf32>
    %convert_element_type3A_539 = arith.fptosi %rem3A_538 : vector<16xf32> to vector<16xi32>
    %swap3A_540 = arith.constant 3 : i32
    %swap3A_541 = arith.index_cast %swap3A_540 : i32 to index
    %swap3A_542 = arith.constant 112 : index
    %swap3A_543 = tpu.vector_load %arg7[%swap3A_541, %swap3A_542] {strides = array<i32>} : memref<4x128xi32, #tpu.memory_space<vmem>>, vector<1x16xi32>,
    %swap3A_544 = vector.shape_cast %swap3A_543 : vector<1x16xi32> to vector<16xi32>
    %swap3A_545 = vector.shape_cast %convert_element_type3A_539 : vector<16xi32> to vector<1x16xi32>
    tpu.vector_store %arg7[%swap3A_541, %swap3A_542], %swap3A_545 {strides = array<i32>} : memref<4x128xi32, #tpu.memory_space<vmem>>, vector<1x16xi32>,
    %dma_start3A_546 = arith.constant 3 : i32
    %dma_start3A_547 = arith.constant 384 : i32
    %dma_start3A_548 = arith.constant 0 : i32
    %dma_start3A_549 = tpu.memref_slice %arg8[%dma_start3A_547, %dma_start3A_548] : memref<512x128xf32, #tpu.memory_space<vmem>> -> memref<128x128xf32, #tpu.memory_space<vmem>>
    %dma_start3A_550 = arith.constant 0 : i32
    %dma_start3A_551 = tpu.memref_slice %arg7[%dma_start3A_546, %dma_start3A_550] : memref<4x128xi32, #tpu.memory_space<vmem>> -> memref<1x128xi32, #tpu.memory_space<vmem>>
    %dma_start3A_552 = tpu.memref_squeeze %dma_start3A_551 : memref<1x128xi32, #tpu.memory_space<vmem>> -> memref<128xi32, #tpu.memory_space<vmem>>
    %dma_start3A_553 = arith.constant 0 : i32
    %dma_start3A_554 = arith.constant 0 : i32
    %dma_start3A_555 = tpu.memref_slice %arg6[%dma_start3A_553, %dma_start3A_554] : memref<12x128xf32, #tpu.memory_space<vmem_shared>> -> memref<12x128xf32, #tpu.memory_space<vmem_shared>>
    tpu.enqueue_indirect_dma source(%dma_start3A_555 : memref<12x128xf32, #tpu.memory_space<vmem_shared>>) target(%dma_start3A_549 : memref<128x128xf32, #tpu.memory_space<vmem>>) offsets(%dma_start3A_552 : memref<128xi32, #tpu.memory_space<vmem>>) semaphore(%arg10 : memref<!tpu.dma_semaphore, #tpu.memory_space<semaphore_mem>>)
    %dma_wait3A_556 = arith.constant 0 : i32
    %dma_wait3A_557 = arith.constant 0 : i32
    %dma_wait3A_558 = arith.constant 0 : i32
    %dma_wait3A_559 = tpu.memref_slice %arg8[%dma_wait3A_557, %dma_wait3A_558] : memref<512x128xf32, #tpu.memory_space<vmem>> -> memref<128x128xf32, #tpu.memory_space<vmem>>
    %dma_wait3A_560 = arith.constant 0 : i32
    %dma_wait3A_561 = tpu.memref_slice %arg7[%dma_wait3A_556, %dma_wait3A_560] : memref<4x128xi32, #tpu.memory_space<vmem>> -> memref<1x128xi32, #tpu.memory_space<vmem>>
    %dma_wait3A_562 = tpu.memref_squeeze %dma_wait3A_561 : memref<1x128xi32, #tpu.memory_space<vmem>> -> memref<128xi32, #tpu.memory_space<vmem>>
    %dma_wait3A_563 = arith.constant 0 : i32
    %dma_wait3A_564 = arith.constant 0 : i32
    %dma_wait3A_565 = tpu.memref_slice %arg6[%dma_wait3A_563, %dma_wait3A_564] : memref<12x128xf32, #tpu.memory_space<vmem_shared>> -> memref<12x128xf32, #tpu.memory_space<vmem_shared>>
    tpu.wait_indirect_dma semaphore(%arg10 : memref<!tpu.dma_semaphore, #tpu.memory_space<semaphore_mem>>) src(%dma_wait3A_565 : memref<12x128xf32, #tpu.memory_space<vmem_shared>>) dst(%dma_wait3A_559 : memref<128x128xf32, #tpu.memory_space<vmem>>)
    %add3A_566 = arith.constant 0 : i32
    %add3A_567 = arith.addi %mul3A_2, %add3A_566 : i32
    %dma_start3A_568 = arith.constant 0 : i32
    %dma_start3A_569 = arith.constant 0 : i32
    %dma_start3A_570 = tpu.memref_slice %arg8[%dma_start3A_568, %dma_start3A_569] : memref<512x128xf32, #tpu.memory_space<vmem>> -> memref<128x128xf32, #tpu.memory_space<vmem>>
    %dma_start3A_571 = arith.constant 0 : i32
    %dma_start3A_572 = tpu.memref_slice %arg4[%add3A_567, %dma_start3A_571] : memref<16384x128xf32, #tpu.memory_space<hbm>> -> memref<128x128xf32, #tpu.memory_space<hbm>>
    %dma_start3A_573 = arith.constant 0 : i32
    %dma_start3A_574 = tpu.memref_slice %arg4[%add3A_567, %dma_start3A_573] : memref<16384x128xf32, #tpu.memory_space<hbm>> -> memref<128x128xf32, #tpu.memory_space<hbm>>
    %dma_start3A_575 = arith.constant 0 : i32
    %dma_start3A_576 = arith.constant 0 : i32
    %dma_start3A_577 = tpu.memref_slice %arg8[%dma_start3A_575, %dma_start3A_576] : memref<512x128xf32, #tpu.memory_space<vmem>> -> memref<128x128xf32, #tpu.memory_space<vmem>>
    tpu.enqueue_dma source(%dma_start3A_577 : memref<128x128xf32, #tpu.memory_space<vmem>>) target(%dma_start3A_574 : memref<128x128xf32, #tpu.memory_space<hbm>>) target_semaphore(%arg11 : memref<!tpu.dma_semaphore, #tpu.memory_space<semaphore_mem>>)
    %dma_wait3A_578 = arith.constant 1 : i32
    %dma_wait3A_579 = arith.constant 128 : i32
    %dma_wait3A_580 = arith.constant 0 : i32
    %dma_wait3A_581 = tpu.memref_slice %arg8[%dma_wait3A_579, %dma_wait3A_580] : memref<512x128xf32, #tpu.memory_space<vmem>> -> memref<128x128xf32, #tpu.memory_space<vmem>>
    %dma_wait3A_582 = arith.constant 0 : i32
    %dma_wait3A_583 = tpu.memref_slice %arg7[%dma_wait3A_578, %dma_wait3A_582] : memref<4x128xi32, #tpu.memory_space<vmem>> -> memref<1x128xi32, #tpu.memory_space<vmem>>
    %dma_wait3A_584 = tpu.memref_squeeze %dma_wait3A_583 : memref<1x128xi32, #tpu.memory_space<vmem>> -> memref<128xi32, #tpu.memory_space<vmem>>
    %dma_wait3A_585 = arith.constant 0 : i32
    %dma_wait3A_586 = arith.constant 0 : i32
    %dma_wait3A_587 = tpu.memref_slice %arg6[%dma_wait3A_585, %dma_wait3A_586] : memref<12x128xf32, #tpu.memory_space<vmem_shared>> -> memref<12x128xf32, #tpu.memory_space<vmem_shared>>
    tpu.wait_indirect_dma semaphore(%arg10 : memref<!tpu.dma_semaphore, #tpu.memory_space<semaphore_mem>>) src(%dma_wait3A_587 : memref<12x128xf32, #tpu.memory_space<vmem_shared>>) dst(%dma_wait3A_581 : memref<128x128xf32, #tpu.memory_space<vmem>>)
    %add3A_588 = arith.constant 128 : i32
    %add3A_589 = arith.addi %mul3A_2, %add3A_588 : i32
    %dma_start3A_590 = arith.constant 128 : i32
    %dma_start3A_591 = arith.constant 0 : i32
    %dma_start3A_592 = tpu.memref_slice %arg8[%dma_start3A_590, %dma_start3A_591] : memref<512x128xf32, #tpu.memory_space<vmem>> -> memref<128x128xf32, #tpu.memory_space<vmem>>
    %dma_start3A_593 = arith.constant 0 : i32
    %dma_start3A_594 = tpu.memref_slice %arg4[%add3A_589, %dma_start3A_593] : memref<16384x128xf32, #tpu.memory_space<hbm>> -> memref<128x128xf32, #tpu.memory_space<hbm>>
    %dma_start3A_595 = arith.constant 0 : i32
    %dma_start3A_596 = tpu.memref_slice %arg4[%add3A_589, %dma_start3A_595] : memref<16384x128xf32, #tpu.memory_space<hbm>> -> memref<128x128xf32, #tpu.memory_space<hbm>>
    %dma_start3A_597 = arith.constant 128 : i32
    %dma_start3A_598 = arith.constant 0 : i32
    %dma_start3A_599 = tpu.memref_slice %arg8[%dma_start3A_597, %dma_start3A_598] : memref<512x128xf32, #tpu.memory_space<vmem>> -> memref<128x128xf32, #tpu.memory_space<vmem>>
    tpu.enqueue_dma source(%dma_start3A_599 : memref<128x128xf32, #tpu.memory_space<vmem>>) target(%dma_start3A_596 : memref<128x128xf32, #tpu.memory_space<hbm>>) target_semaphore(%arg11 : memref<!tpu.dma_semaphore, #tpu.memory_space<semaphore_mem>>)
    %dma_wait3A_600 = arith.constant 2 : i32
    %dma_wait3A_601 = arith.constant 256 : i32
    %dma_wait3A_602 = arith.constant 0 : i32
    %dma_wait3A_603 = tpu.memref_slice %arg8[%dma_wait3A_601, %dma_wait3A_602] : memref<512x128xf32, #tpu.memory_space<vmem>> -> memref<128x128xf32, #tpu.memory_space<vmem>>
    %dma_wait3A_604 = arith.constant 0 : i32
    %dma_wait3A_605 = tpu.memref_slice %arg7[%dma_wait3A_600, %dma_wait3A_604] : memref<4x128xi32, #tpu.memory_space<vmem>> -> memref<1x128xi32, #tpu.memory_space<vmem>>
    %dma_wait3A_606 = tpu.memref_squeeze %dma_wait3A_605 : memref<1x128xi32, #tpu.memory_space<vmem>> -> memref<128xi32, #tpu.memory_space<vmem>>
    %dma_wait3A_607 = arith.constant 0 : i32
    %dma_wait3A_608 = arith.constant 0 : i32
    %dma_wait3A_609 = tpu.memref_slice %arg6[%dma_wait3A_607, %dma_wait3A_608] : memref<12x128xf32, #tpu.memory_space<vmem_shared>> -> memref<12x128xf32, #tpu.memory_space<vmem_shared>>
    tpu.wait_indirect_dma semaphore(%arg10 : memref<!tpu.dma_semaphore, #tpu.memory_space<semaphore_mem>>) src(%dma_wait3A_609 : memref<12x128xf32, #tpu.memory_space<vmem_shared>>) dst(%dma_wait3A_603 : memref<128x128xf32, #tpu.memory_space<vmem>>)
    %add3A_610 = arith.constant 256 : i32
    %add3A_611 = arith.addi %mul3A_2, %add3A_610 : i32
    %dma_start3A_612 = arith.constant 256 : i32
    %dma_start3A_613 = arith.constant 0 : i32
    %dma_start3A_614 = tpu.memref_slice %arg8[%dma_start3A_612, %dma_start3A_613] : memref<512x128xf32, #tpu.memory_space<vmem>> -> memref<128x128xf32, #tpu.memory_space<vmem>>
    %dma_start3A_615 = arith.constant 0 : i32
    %dma_start3A_616 = tpu.memref_slice %arg4[%add3A_611, %dma_start3A_615] : memref<16384x128xf32, #tpu.memory_space<hbm>> -> memref<128x128xf32, #tpu.memory_space<hbm>>
    %dma_start3A_617 = arith.constant 0 : i32
    %dma_start3A_618 = tpu.memref_slice %arg4[%add3A_611, %dma_start3A_617] : memref<16384x128xf32, #tpu.memory_space<hbm>> -> memref<128x128xf32, #tpu.memory_space<hbm>>
    %dma_start3A_619 = arith.constant 256 : i32
    %dma_start3A_620 = arith.constant 0 : i32
    %dma_start3A_621 = tpu.memref_slice %arg8[%dma_start3A_619, %dma_start3A_620] : memref<512x128xf32, #tpu.memory_space<vmem>> -> memref<128x128xf32, #tpu.memory_space<vmem>>
    tpu.enqueue_dma source(%dma_start3A_621 : memref<128x128xf32, #tpu.memory_space<vmem>>) target(%dma_start3A_618 : memref<128x128xf32, #tpu.memory_space<hbm>>) target_semaphore(%arg11 : memref<!tpu.dma_semaphore, #tpu.memory_space<semaphore_mem>>)
    %dma_wait3A_622 = arith.constant 3 : i32
    %dma_wait3A_623 = arith.constant 384 : i32
    %dma_wait3A_624 = arith.constant 0 : i32
    %dma_wait3A_625 = tpu.memref_slice %arg8[%dma_wait3A_623, %dma_wait3A_624] : memref<512x128xf32, #tpu.memory_space<vmem>> -> memref<128x128xf32, #tpu.memory_space<vmem>>
    %dma_wait3A_626 = arith.constant 0 : i32
    %dma_wait3A_627 = tpu.memref_slice %arg7[%dma_wait3A_622, %dma_wait3A_626] : memref<4x128xi32, #tpu.memory_space<vmem>> -> memref<1x128xi32, #tpu.memory_space<vmem>>
    %dma_wait3A_628 = tpu.memref_squeeze %dma_wait3A_627 : memref<1x128xi32, #tpu.memory_space<vmem>> -> memref<128xi32, #tpu.memory_space<vmem>>
    %dma_wait3A_629 = arith.constant 0 : i32
    %dma_wait3A_630 = arith.constant 0 : i32
    %dma_wait3A_631 = tpu.memref_slice %arg6[%dma_wait3A_629, %dma_wait3A_630] : memref<12x128xf32, #tpu.memory_space<vmem_shared>> -> memref<12x128xf32, #tpu.memory_space<vmem_shared>>
    tpu.wait_indirect_dma semaphore(%arg10 : memref<!tpu.dma_semaphore, #tpu.memory_space<semaphore_mem>>) src(%dma_wait3A_631 : memref<12x128xf32, #tpu.memory_space<vmem_shared>>) dst(%dma_wait3A_625 : memref<128x128xf32, #tpu.memory_space<vmem>>)
    %add3A_632 = arith.constant 384 : i32
    %add3A_633 = arith.addi %mul3A_2, %add3A_632 : i32
    %dma_start3A_634 = arith.constant 384 : i32
    %dma_start3A_635 = arith.constant 0 : i32
    %dma_start3A_636 = tpu.memref_slice %arg8[%dma_start3A_634, %dma_start3A_635] : memref<512x128xf32, #tpu.memory_space<vmem>> -> memref<128x128xf32, #tpu.memory_space<vmem>>
    %dma_start3A_637 = arith.constant 0 : i32
    %dma_start3A_638 = tpu.memref_slice %arg4[%add3A_633, %dma_start3A_637] : memref<16384x128xf32, #tpu.memory_space<hbm>> -> memref<128x128xf32, #tpu.memory_space<hbm>>
    %dma_start3A_639 = arith.constant 0 : i32
    %dma_start3A_640 = tpu.memref_slice %arg4[%add3A_633, %dma_start3A_639] : memref<16384x128xf32, #tpu.memory_space<hbm>> -> memref<128x128xf32, #tpu.memory_space<hbm>>
    %dma_start3A_641 = arith.constant 384 : i32
    %dma_start3A_642 = arith.constant 0 : i32
    %dma_start3A_643 = tpu.memref_slice %arg8[%dma_start3A_641, %dma_start3A_642] : memref<512x128xf32, #tpu.memory_space<vmem>> -> memref<128x128xf32, #tpu.memory_space<vmem>>
    tpu.enqueue_dma source(%dma_start3A_643 : memref<128x128xf32, #tpu.memory_space<vmem>>) target(%dma_start3A_640 : memref<128x128xf32, #tpu.memory_space<hbm>>) target_semaphore(%arg11 : memref<!tpu.dma_semaphore, #tpu.memory_space<semaphore_mem>>)
    %dma_wait3A_644 = arith.constant 0 : i32
    %dma_wait3A_645 = arith.constant 0 : i32
    %dma_wait3A_646 = tpu.memref_slice %arg8[%dma_wait3A_644, %dma_wait3A_645] : memref<512x128xf32, #tpu.memory_space<vmem>> -> memref<128x128xf32, #tpu.memory_space<vmem>>
    %dma_wait3A_647 = arith.constant 0 : i32
    %dma_wait3A_648 = tpu.memref_slice %arg4[%add3A_567, %dma_wait3A_647] : memref<16384x128xf32, #tpu.memory_space<hbm>> -> memref<128x128xf32, #tpu.memory_space<hbm>>
    %dma_wait3A_649 = arith.constant 0 : i32
    %dma_wait3A_650 = tpu.memref_slice %arg4[%add3A_567, %dma_wait3A_649] : memref<16384x128xf32, #tpu.memory_space<hbm>> -> memref<128x128xf32, #tpu.memory_space<hbm>>
    %dma_wait3A_651 = arith.constant 0 : i32
    %dma_wait3A_652 = arith.constant 0 : i32
    %dma_wait3A_653 = tpu.memref_slice %arg8[%dma_wait3A_651, %dma_wait3A_652] : memref<512x128xf32, #tpu.memory_space<vmem>> -> memref<128x128xf32, #tpu.memory_space<vmem>>
    tpu.wait_dma2 semaphore(%arg11 : memref<!tpu.dma_semaphore, #tpu.memory_space<semaphore_mem>>) src(%dma_wait3A_653 : memref<128x128xf32, #tpu.memory_space<vmem>>) dst(%dma_wait3A_650 : memref<128x128xf32, #tpu.memory_space<hbm>>)
    %dma_wait3A_654 = arith.constant 128 : i32
    %dma_wait3A_655 = arith.constant 0 : i32
    %dma_wait3A_656 = tpu.memref_slice %arg8[%dma_wait3A_654, %dma_wait3A_655] : memref<512x128xf32, #tpu.memory_space<vmem>> -> memref<128x128xf32, #tpu.memory_space<vmem>>
    %dma_wait3A_657 = arith.constant 0 : i32
    %dma_wait3A_658 = tpu.memref_slice %arg4[%add3A_589, %dma_wait3A_657] : memref<16384x128xf32, #tpu.memory_space<hbm>> -> memref<128x128xf32, #tpu.memory_space<hbm>>
    %dma_wait3A_659 = arith.constant 0 : i32
    %dma_wait3A_660 = tpu.memref_slice %arg4[%add3A_589, %dma_wait3A_659] : memref<16384x128xf32, #tpu.memory_space<hbm>> -> memref<128x128xf32, #tpu.memory_space<hbm>>
    %dma_wait3A_661 = arith.constant 128 : i32
    %dma_wait3A_662 = arith.constant 0 : i32
    %dma_wait3A_663 = tpu.memref_slice %arg8[%dma_wait3A_661, %dma_wait3A_662] : memref<512x128xf32, #tpu.memory_space<vmem>> -> memref<128x128xf32, #tpu.memory_space<vmem>>
    tpu.wait_dma2 semaphore(%arg11 : memref<!tpu.dma_semaphore, #tpu.memory_space<semaphore_mem>>) src(%dma_wait3A_663 : memref<128x128xf32, #tpu.memory_space<vmem>>) dst(%dma_wait3A_660 : memref<128x128xf32, #tpu.memory_space<hbm>>)
    %dma_wait3A_664 = arith.constant 256 : i32
    %dma_wait3A_665 = arith.constant 0 : i32
    %dma_wait3A_666 = tpu.memref_slice %arg8[%dma_wait3A_664, %dma_wait3A_665] : memref<512x128xf32, #tpu.memory_space<vmem>> -> memref<128x128xf32, #tpu.memory_space<vmem>>
    %dma_wait3A_667 = arith.constant 0 : i32
    %dma_wait3A_668 = tpu.memref_slice %arg4[%add3A_611, %dma_wait3A_667] : memref<16384x128xf32, #tpu.memory_space<hbm>> -> memref<128x128xf32, #tpu.memory_space<hbm>>
    %dma_wait3A_669 = arith.constant 0 : i32
    %dma_wait3A_670 = tpu.memref_slice %arg4[%add3A_611, %dma_wait3A_669] : memref<16384x128xf32, #tpu.memory_space<hbm>> -> memref<128x128xf32, #tpu.memory_space<hbm>>
    %dma_wait3A_671 = arith.constant 256 : i32
    %dma_wait3A_672 = arith.constant 0 : i32
    %dma_wait3A_673 = tpu.memref_slice %arg8[%dma_wait3A_671, %dma_wait3A_672] : memref<512x128xf32, #tpu.memory_space<vmem>> -> memref<128x128xf32, #tpu.memory_space<vmem>>
    tpu.wait_dma2 semaphore(%arg11 : memref<!tpu.dma_semaphore, #tpu.memory_space<semaphore_mem>>) src(%dma_wait3A_673 : memref<128x128xf32, #tpu.memory_space<vmem>>) dst(%dma_wait3A_670 : memref<128x128xf32, #tpu.memory_space<hbm>>)
    %dma_wait3A_674 = arith.constant 384 : i32
    %dma_wait3A_675 = arith.constant 0 : i32
    %dma_wait3A_676 = tpu.memref_slice %arg8[%dma_wait3A_674, %dma_wait3A_675] : memref<512x128xf32, #tpu.memory_space<vmem>> -> memref<128x128xf32, #tpu.memory_space<vmem>>
    %dma_wait3A_677 = arith.constant 0 : i32
    %dma_wait3A_678 = tpu.memref_slice %arg4[%add3A_633, %dma_wait3A_677] : memref<16384x128xf32, #tpu.memory_space<hbm>> -> memref<128x128xf32, #tpu.memory_space<hbm>>
    %dma_wait3A_679 = arith.constant 0 : i32
    %dma_wait3A_680 = tpu.memref_slice %arg4[%add3A_633, %dma_wait3A_679] : memref<16384x128xf32, #tpu.memory_space<hbm>> -> memref<128x128xf32, #tpu.memory_space<hbm>>
    %dma_wait3A_681 = arith.constant 384 : i32
    %dma_wait3A_682 = arith.constant 0 : i32
    %dma_wait3A_683 = tpu.memref_slice %arg8[%dma_wait3A_681, %dma_wait3A_682] : memref<512x128xf32, #tpu.memory_space<vmem>> -> memref<128x128xf32, #tpu.memory_space<vmem>>
    tpu.wait_dma2 semaphore(%arg11 : memref<!tpu.dma_semaphore, #tpu.memory_space<semaphore_mem>>) src(%dma_wait3A_683 : memref<128x128xf32, #tpu.memory_space<vmem>>) dst(%dma_wait3A_680 : memref<128x128xf32, #tpu.memory_space<hbm>>)
    return
  }
}

</mosaic_0001>

<sc_bundles>
// kernel: kernel.3.cloned.1.call-start
scs
__scs_entry_jumppad:
0x0: {  	(pc) =	sbr.rel $0x88, $3  }
0x1: {  	(tag) =	ssettag $0x0;
	lr =	simm.s32 $0x1  }
0x2: {  	[smem:$0x3F9F] =	sst lr;
	_ =	strace $0xD0000000  }
0x3: {  	_ = 	snop  }
0x4: {  	_ = 	snop  }
0x5: {  	_ = 	snop  }
0x6: {  	_ = 	snop  }
0x7: {  	_ = 	snop  }
__scs_overlays_trampoline_lowered:
0x8: {  	[smem:$0x3FAE] =	sst s0  }
0x9: {  	[smem:$0x3FAF] =	sst s1  }
0xa: {  	[smem:$0x3FB0] =	sst s2  }
0xb: {  	[smem:$0x3FB1] =	sst s3  }
0xc: {  	[smem:$0x3FB2] =	sst s4  }
0xd: {  	[smem:$0x3FB3] =	sst s5  }
0xe: {  	[smem:$0x3FB4] =	sst s6  }
0xf: {  	[smem:$0x3FB5] =	sst s7  }
0x10: {  	[smem:$0x3FB6] =	sst s8  }
0x11: {  	[smem:$0x3FB7] =	sst s9;
	s0 =	simm.s32 @!p0 $0x0  }
0x12: {  	s1 =	sld [smem:$0x3F9D];
	s0 =	simm.s32 @p0 $0x1  }
0x13: {  	[smem:$0x3FB8] =	sst s0;
	s0 =	simm.s32 @!p1 $0x0  }
0x14: {  	s2 =	sld [smem:$0x3F9C];
	s0 =	simm.s32 @p1 $0x1  }
0x15: {  	[smem:$0x3FB9] =	sst s0;
	s0 =	simm.s32 @!p2 $0x0  }
0x16: {  	s3 =	sld [smem:$0x3FDB];
	s0 =	simm.s32 @p2 $0x1  }
0x17: {  	s4 =	simm.s32 $0x1BF5;
	[smem:$0x3FBB] =	sst s0  }
0x18: {  	s0 =	sld [smem:$0x3F9E];
	_ =	swait.ge [sflag:s4], $0x0  }
0x19: {  	s7 =	sld [smem:$0x3F9F]  }
0x1a: {  	s8 =	sadd.s32 $0xFFFFE003, lr  }
0x1b: {  	s9 =	sadd.s32 $0xFFFFFEF7, lr;
	s5 =	simm.s32 $0xFFFFFFFF;
	p2 =	slt.u32 s8, $0xFFFFF086  }
0x1c: {  	p1 =	slt.u32 s9, $0xF7A;
	s5 =	simm.s32 @!p2 $0x0  }
0x1d: {  	s5 =	simm.s32 @p1 $0x1;
	p0 =	seq.s32 s7, s2  }
0x1e: {  	s7 =	smul.u32 @!p0 $0xF7A, s2;
	p2 =	seq.s32 @!p0 s5, $0x0  }
0x1f: {  	s9 =	smul.u32 $0xF7A, s1;
	s8 =	simm.s32 @!p0 $0x1BF5;
	p2 =	por !p2, p0  }
0x20: {  	[sflag:s8] =	ssyncset.s32 @!p0 $0xFFFFF086;
	s6 =	sadd.s32 @!p0 s3, s7;
	s7 =	simm.s32 @!p0 $0x108  }
0x21: {  	s3 =	sadd.s32 s3, s9;
	s6 =	sadd.s32 @!p0 $0x88, s6;
	s7 =	simm.s32 @p2 $0x1082  }
0x22: {  	[simem:s7], [sflag:s8] =	dma.local @!p0 [hbm:s6], $0xF7A  }
0x23: {  	s9 =	sor.u32 $0xD0000000, s2;
	s6 =	simm.s32 $0x108;
	_ =	swait.ge @!p0 [sflag:s8], $0x0  }
0x24: {  	s3 =	sadd.s32 $0x88, s3;
	s6 =	simm.s32 @!p1 $0x1082;
	[sflag:s4] =	ssyncset.s32 $0xFFFFF086  }
0x25: {  	[simem:s6], [sflag:s4] =	dma.local [hbm:s3], $0xF7A  }
0x26: {  	[smem:$0x3F9F] =	sst s1;
	(tag) =	ssettag s2;
	_ =	strace s9  }
0x27: {  	s1 =	sld [smem:$0x3FAF]  }
0x28: {  	s2 =	sld [smem:$0x3FB0]  }
0x29: {  	s4 =	sld [smem:$0x3FB2]  }
0x2a: {  	p0 =	seq.s32 s5, $0x0;
	s5 =	sld [smem:$0x3FB3]  }
0x2b: {  	s6 =	sld [smem:$0x3FB4]  }
0x2c: {  	s7 =	sld [smem:$0x3FB5]  }
0x2d: {  	s3 =	simm.s32 $0x108;
	s8 =	sld [smem:$0x3FB6]  }
0x2e: {  	s3 =	simm.s32 @!p0 $0x1082;
	s9 =	sld [smem:$0x3FB7]  }
0x2f: {  	lr =	sadd.s32 s0, s3;
	s0 =	sld [smem:$0x3FAE]  }
0x30: {  	s3 =	sld [smem:$0x3FB1]  }
0x31: {  	[smem:$0x3FBA] =	sst s10  }
0x32: {  	s10 =	sld [smem:$0x3FB8];
	_ =	sdelay $0x3  }
0x33: {  	p0 =	seq.s32 s10, $0x1;
	s10 =	sld [smem:$0x3FBA];
	_ =	sdelay $0x3  }
0x34: {  	[smem:$0x3FBA] =	sst s10  }
0x35: {  	s10 =	sld [smem:$0x3FB9];
	_ =	sdelay $0x3  }
0x36: {  	p1 =	seq.s32 s10, $0x1;
	s10 =	sld [smem:$0x3FBA];
	_ =	sdelay $0x3  }
0x37: {  	[smem:$0x3FBA] =	sst s10  }
0x38: {  	s10 =	sld [smem:$0x3FBB]  }
0x39: {  	_ = 	snop;
	(pc) =	sbr.ind lr, $3  }
0x3a: {  	_ = 	snop  }
0x3b: {  	_ = 	snop  }
0x3c: {  	p2 =	seq.s32 s10, $0x1;
	s10 =	sld [smem:$0x3FBA]  }
0x3d: {  	_ =	shalt  }
0x3e: {  	_ =	shalt  }
0x3f: {  	_ =	shalt  }
0x40: {  	_ =	shalt  }
0x41: {  	_ =	shalt  }
0x42: {  	_ =	shalt  }
0x43: {  	_ =	shalt  }
0x44: {  	_ =	shalt  }
0x45: {  	_ =	shalt  }
0x46: {  	_ =	shalt  }
0x47: {  	_ =	shalt  }
0x48: {  	_ =	shalt  }
0x49: {  	_ =	shalt  }
0x4a: {  	_ =	shalt  }
0x4b: {  	_ =	shalt  }
0x4c: {  	_ =	shalt  }
0x4d: {  	_ =	shalt  }
0x4e: {  	_ =	shalt  }
0x4f: {  	_ =	shalt  }
0x50: {  	_ =	shalt  }
0x51: {  	_ =	shalt  }
0x52: {  	_ =	shalt  }
0x53: {  	_ =	shalt  }
0x54: {  	_ =	shalt  }
0x55: {  	_ =	shalt  }
0x56: {  	_ =	shalt  }
0x57: {  	_ =	shalt  }
0x58: {  	_ =	shalt  }
0x59: {  	_ =	shalt  }
0x5a: {  	_ =	shalt  }
0x5b: {  	_ =	shalt  }
0x5c: {  	_ =	shalt  }
0x5d: {  	_ =	shalt  }
0x5e: {  	_ =	shalt  }
0x5f: {  	_ =	shalt  }
0x60: {  	_ =	shalt  }
0x61: {  	_ =	shalt  }
0x62: {  	_ =	shalt  }
0x63: {  	_ =	shalt  }
0x64: {  	_ =	shalt  }
0x65: {  	_ =	shalt  }
0x66: {  	_ =	shalt  }
0x67: {  	_ =	shalt  }
0x68: {  	_ =	shalt  }
0x69: {  	_ =	shalt  }
0x6a: {  	_ =	shalt  }
0x6b: {  	_ =	shalt  }
0x6c: {  	_ =	shalt  }
0x6d: {  	_ =	shalt  }
0x6e: {  	_ =	shalt  }
0x6f: {  	_ =	shalt  }
0x70: {  	_ =	shalt  }
0x71: {  	_ =	shalt  }
0x72: {  	_ =	shalt  }
0x73: {  	_ =	shalt  }
0x74: {  	_ =	shalt  }
0x75: {  	_ =	shalt  }
0x76: {  	_ =	shalt  }
0x77: {  	_ =	shalt  }
0x78: {  	_ =	shalt  }
0x79: {  	_ =	shalt  }
0x7a: {  	_ =	shalt  }
0x7b: {  	_ =	shalt  }
0x7c: {  	_ =	shalt  }
0x7d: {  	_ =	shalt  }
0x7e: {  	_ =	shalt  }
0x7f: {  	_ =	shalt  }
0x80: {  	_ =	shalt  }
0x81: {  	_ =	shalt  }
0x82: {  	_ =	shalt  }
0x83: {  	_ =	shalt  }
0x84: {  	_ =	shalt  }
0x85: {  	_ =	shalt  }
0x86: {  	_ =	shalt  }
0x87: {  	_ =	shalt  }
.Lfunc_end0:
.L_simem_size_0:
called_computation_lowered:
.L_overlay_start_0:
0x88: {  	s2 =	sld [smem:$0x3FD9]  }
0x89: {  	s3 =	sld [smem:$0x3FFE];
	_ =	sdelay $0x1  }
0x8a: {  	s1 =	srdreg.scid  }
0x8b: {  	s0 =	sand.u32 $0x1, s1  }
0x8c: {  	s18 =	sshll.u32 s0, $0xA;
	s2 =	sadd.s32 s3, s2  }
0x8d: {  	s2 =	sadd.s32 s2, s18  }
0x8e: {  	[smem:$0x3FC6] =	sst s2  }
0x8f: {  	_ = 	snop  }
0x90: {  	s2 =	sld [smem:$0x3FC9]  }
0x91: {  	s19 =	sld [smem:$0x3FC8]  }
0x92: {  	s4 =	sld [smem:$0x3FD0];
	(tm) =	ssettm $0x1  }
0x93: {  	s5 =	sld [smem:$0x3FFB];
	_ =	sdelay $0x3  }
0x94: {  	_ =	strace s5  }
0x95: {  	s5 =	sld [smem:$0x3FFC];
	_ =	sdelay $0x3  }
0x96: {  	_ =	strace s5  }
0x97: {  	s5 =	sld [smem:$0x3FFD];
	_ =	sdelay $0x3  }
0x98: {  	_ =	strace s5  }
0x99: {  	_ =	strace $0x8FFFFFFF  }
0x9a: {  	s20 =	sld [smem:$0x3FDB];
	_ =	sdelay $0x1  }
0x9b: {  	s6 =	simm.s32 $_scs_section_size  }
0x9c: {  	s7 =	simm.s32 $_size__tile_overlayer_lowered;
	s8 =	simm.s32 $_tile_overlayer_lowered  }
0x9d: {  	s23 =	simm.s32 $0x1BFF;
	s22 =	sshll.u32 s8, $0x1;
	s5 =	sadd.s32 s6, s20  }
0x9e: {  	s9 =	simm.s32 $0x0;
	s21 =	sshll.u32 s7, $0x1;
	s7 =	sadd.s32 s22, s5  }
0x9f: {  	[timem:s9], [sflag:s23] =	dma.local [hbm:s7], s21  }
0xa0: {  	_ =	swait.ge [sflag:s23], s21  }
0xa1: {  	s6 =	ssub.s32 $0x0, s21;
	[sflag:s23] =	ssyncset.done $0x0  }
0xa2: {  	[sflag:s23] =	ssyncadd.s32 s6;
	_ =	sdelay $0x1  }
0xa3: {  	s24 =	simm.s32 $0x1B8B  }
0xa4: {  	_ =	swait.ge [sflag:s24], $0x1  }
0xa5: {  	[sflag:s24] =	ssyncset.done $0x0  }
0xa6: {  	s25 =	simm.s32 $0x1B8E;
	[sflag:s24] =	ssyncadd.s32 $0xFFFFFFFF  }
0xa7: {  	s26 =	simm.s32 $execute0_lowered;
	[smem:$0x3FD2] =	sst s25  }
0xa8: {  	s6 =	sshll.u32 s26, $0x1;
	_ =	strace $0x80000046;
	[dreg:$0x1] =	wrdreg $0xFFFFFFFF  }
0xa9: {  	s28 =	simm.s32 $_size_execute0_lowered;
	s5 =	sadd.s32 s5, s6;
	[dreg:$0x0] =	wrdreg $0x0  }
0xaa: {  	s6 =	sshll.u32 s28, $0x1;
	[dreg:$0x2] =	wrdreg s5  }
0xab: {  	[dreg:$0x3] =	wrdreg s6  }
0xac: {  	[dreg:$0x4] =	wrdreg $0xC0  }
0xad: {  	_ =	task [dreg:s9], $0x5FFFF  }
0xae: {  	[dreg:$0x1] =	wrdreg $0xFFFFFFFF  }
0xaf: {  	[dreg:$0x0] =	wrdreg $0x60  }
0xb0: {  	[dreg:$0x2] =	wrdreg s2  }
0xb1: {  	[dreg:$0x3] =	wrdreg s19  }
0xb2: {  	[dreg:$0x4] =	wrdreg s4  }
0xb3: {  	[dreg:$0x5] =	wrdreg $0x2000  }
0xb4: {  	[dreg:$0x6] =	wrdreg $0x9  }
0xb5: {  	_ =	task.clear_ibuf [dreg:s9], $0x7FFFF;
	_ =	strace $0x90000046  }
0xb6: {  	s29 =	simm.s32 $0x9;
	_ =	strace $0x80000048  }
0xb7: {  	_ =	swait.ge [sflag:s29], $0x1  }
0xb8: {  	[sflag:s29] =	ssyncadd.s32 $0xFFFFFFFF  }
0xb9: {  	_ =	strace $0x90000048  }
0xba: {  	_ =	sfence  }
0xbb: {  	s30 =	sld [smem:$0x0];
	_ =	sdelay $0x2  }
0xbc: {  	s31 =	sshll.u32 s1, $0xD;
	s1 =	sshrl.u32 s1, $0x2  }
0xbd: {  	s3 =	sand.u32 $0x4000, s31;
	s1 =	sadd.s32 s1, s30  }
0xbe: {  	s0 =	sor.u32 s3, s0;
	s1 =	sshll.u32 s1, $0x11  }
0xbf: {  	s0 =	sor.u32 s1, s0  }
0xc0: {  	s0 =	sadd.s32 $0x8F2B, s0  }
0xc1: {  	[sflag:s0] =	ssyncadd.remote.s32 $0x1  }
0xc2: {  	_ =	sfence.sel $0xFFFF  }
0xc3: {  	[dreg:$0x0] =	wrdreg $0xFFFFFFFF;
	(pc) =	sbr.abs _section_cstart, $3  }
0xc4: {  	[dreg:$0x1] =	wrdreg $0xFFFFFFFF  }
0xc5: {  	_ =	task.clear_ibuf [dreg:s9], $0x2FFFF;
	_ =	strace $0x9FFFFFFF  }
0xc6: {  	(tm) =	ssettm $0x7FFFFFFF  }
0xc7: {  	_ =	shalt  }
tec
execute0_lowered:
.L_overlay_start_1:
0x0: {  	(tag) =	ssettag $0x1  }
0x1: {  	s4 =	rddreg [dreg:$0x0]  }
0x2: {  	s1 =	rddreg [dreg:$0x1]  }
0x3: {  	s5 =	rddreg [dreg:$0x2]  }
0x4: {  	s2 =	rddreg [dreg:$0x3];
	s3 =	simm.s32 $0x0  }
0x5: {  	[smem:$0x7FF] =	sst s3  }
0x6: {  	s0 =	rddreg [dreg:$0x4];
	s6 =	srdreg.scid;
	v0 =	vimm.f32 $1.200000000e+01;
	_ =	strace $0x80000047  }
0x7: {  	s8 =	stileid.u32;
	s11 =	simm.s32 $0x1;
	s12 =	simm.s32 $0x80;
	(erf) = vrcp.f32 v0  }
0x8: {  	s13 =	simm.s32 $0x260;
	s14 =	simm.s32 $0x460;
	s15 =	simm.s32 $0x2E0  }
0x9: {  	s16 =	simm.s32 $0x4460;
	s17 =	simm.s32 $0x360;
	s18 =	simm.s32 $0x8460  }
0xa: {  	s19 =	simm.s32 $0x3E0;
	s20 =	simm.s32 $0xC460;
	s6 =	sand.u32 $0x1, s6  }
0xb: {  	s21 =	simm.s32 $0x2;
	s7 =	sshll.u32 s8, $0xA;
	s9 =	sshll.u32 s6, $0x9  }
0xc: {  	s22 =	simm.s32 $0x3;
	s6 =	ssub.s32 $0x2, s6;
	s7 =	sor.u32 s9, s7  }
0xd: {  	p0 =	sne.s32 s8, $0x0;
	s31 =	sshrl.u32 s6, $0x1;
	s10 =	sshrl.u32 s7, $0x3  }
0xe: {  	s7 =	sshll.u32 s7, $0x4;
	s9 =	ssub.s32 s6, s31;
	s4 =	sadd.s32 s4, s10  }
0xf: {  	s5 =	sadd.s32 s5, s7;
	s9 =	smax.u32 s9, $0x1;
	s10 =	sshrl.u32 @!p0 s2, $0x3  }
0x10: {  	s6 =	sadd.s32 $0x800, s5;
	s7 =	sadd.s32 $0x1000, s5;
	s8 =	sadd.s32 $0x1800, s5;
	v0 =	vpop (erf)  }
.LBB2_1:
0x11: {  	[tilespmem:s3], [sflag:$0x1] =	stream.linear.gather [hbm4b:s4+s3], $0x200, $0x38;
	[tilespmem:$0x10460] =	vst v63  }
0x12: {  	s23 =	simm.s32 @!p0 $0x1C04  }
0x13: {  	[spmem:s10], [sflag:s23] =	dma.local @!p0 [hbm:s1], $0xC0  }
0x14: {  	s23 =	simm.s32 @!p0 $0x4  }
0x15: {  	_ =	swait.ge @!p0 [sflag:s23], $0xC0  }
0x16: {  	[sflag:s23] =	ssyncset.done @!p0 $0x0  }
0x17: {  	[sflag:s23] =	ssyncadd.s32 @!p0 $0xFFFFFF40  }
0x18: {  	_ =	swait.ge [sflag:s11], $0x200  }
0x19: {  	[sflag:s11] =	ssyncset.done $0x0  }
0x1a: {  	[sflag:s11] =	ssyncadd.s32 $0xFFFFFE00  }
0x1b: {  	v1 =	vld [tilespmem:$0x0]  }
0x1c: {  	v2 =	vld [tilespmem:$0x10]  }
0x1d: {  	v4 =	vld [tilespmem:$0x20]  }
0x1e: {  	v8 =	vld [tilespmem:$0x30]  }
0x1f: {  	v10 =	vld [tilespmem:$0x50]  }
0x20: {  	v11 =	vld [tilespmem:$0x70];
	_ =	sdelay $0x1  }
0x21: {  	v1 =	vmul.f32 $1.200000000e+01, v1  }
0x22: {  	v2 =	vmul.f32 $1.200000000e+01, v2;
	v4 =	vmul.f32 $1.200000000e+01, v4  }
0x23: {  	v8 =	vmul.f32 $1.200000000e+01, v8;
	v10 =	vmul.f32 $1.200000000e+01, v10;
	v3 =	vand.u32 $0x7FFFFFFF, v1  }
0x24: {  	v11 =	vmul.f32 $1.200000000e+01, v11;
	v5 =	vmul.f32 v3, v0  }
0x25: {  	v57 =	vld [tilespmem:$0x40];
	v6 =	vand.u32 $0x7FFFFFFF, v2;
	v55 =	vand.u32 $0x7FFFFFFF, v4;
	v1 =	vand.u32 $0x80000000, v1  }
0x26: {  	v2 =	vand.u32 $0x80000000, v2;
	v7 =	vmul.f32 v6, v0;
	v5 =	vfloor.f32 v5  }
0x27: {  	v4 =	vand.u32 $0x80000000, v4;
	v63 =	vand.u32 $0x7FFFFFFF, v10;
	v5 =	vmul.f32 $1.200000000e+01, v5  }
0x28: {  	v14 =	vand.u32 $0x7FFFFFFF, v11;
	v9 =	vmul.f32 v55, v0;
	v54 =	vfloor.f32 v7  }
0x29: {  	v10 =	vand.u32 $0x80000000, v10;
	v3 =	vsub.f32 v3, v5;
	v5 =	vmul.f32 $1.200000000e+01, v54  }
0x2a: {  	v23 =	vand.u32 $0x80000000, v11;
	v56 =	vfloor.f32 v9;
	v9 =	vmul.f32 $1.200000000e+01, v57  }
0x2b: {  	v15 =	vmul.f32 v63, v0;
	vm0 =	veq.f32 v3, $1.200000000e+01;
	v5 =	vsub.f32 v6, v5  }
0x2c: {  	v60 =	vand.u32 $0x7FFFFFFF, v9;
	v6 =	vmul.f32 $1.200000000e+01, v56;
	v3 =	vsel vm0, $0x0, v3  }
0x2d: {  	v9 =	vand.u32 $0x80000000, v9;
	v3 =	vand.u32 $0x7FFFFFFF, v3;
	vm9 =	veq.f32 v5, $1.200000000e+01  }
0x2e: {  	v6 =	vsub.f32 v55, v6;
	v1 =	vor.u32 v1, v3;
	v3 =	vand.u32 $0x7FFFFFFF, v8  }
0x2f: {  	v61 =	vmul.f32 v60, v0;
	v5 =	vsel vm9, $0x0, v5;
	v58 =	vmul.f32 v3, v0  }
0x30: {  	v1 =	vtrunc.f32 v1;
	v5 =	vand.u32 $0x7FFFFFFF, v5;
	vm10 =	veq.f32 v6, $1.200000000e+01  }
0x31: {  	v62 =	vld [tilespmem:$0x60];
	v1 =	vcvt.f32.s32 v1;
	v2 =	vor.u32 v2, v5;
	v5 =	vfloor.f32 v61  }
0x32: {  	v6 =	vsel vm10, $0x0, v6;
	v7 =	vfloor.f32 v58;
	v2 =	vtrunc.f32 v2  }
0x33: {  	v59 =	vand.u32 $0x7FFFFFFF, v6;
	v5 =	vmul.f32 $1.200000000e+01, v5;
	v6 =	vfloor.f32 v15  }
0x34: {  	v8 =	vand.u32 $0x80000000, v8;
	v15 =	vmul.f32 v14, v0;
	v7 =	vmul.f32 $1.200000000e+01, v7  }
0x35: {  	v4 =	vor.u32 v4, v59;
	v2 =	vcvt.f32.s32 v2;
	v6 =	vmul.f32 $1.200000000e+01, v6  }
0x36: {  	v4 =	vtrunc.f32 v4;
	v3 =	vsub.f32 v3, v7;
	v7 =	vmul.f32 $1.200000000e+01, v62  }
0x37: {  	v5 =	vsub.f32 v60, v5;
	v17 =	vfloor.f32 v15;
	v4 =	vcvt.f32.s32 v4  }
0x38: {  	v6 =	vsub.f32 v63, v6;
	v18 =	vmul.f32 $1.200000000e+01, v17;
	v12 =	vand.u32 $0x7FFFFFFF, v7  }
0x39: {  	vm12 =	veq.f32 v5, $1.200000000e+01;
	vm11 =	veq.f32 v3, $1.200000000e+01;
	v13 =	vmul.f32 v12, v0  }
0x3a: {  	v5 =	vsel vm12, $0x0, v5;
	vm13 =	veq.f32 v6, $1.200000000e+01;
	v3 =	vsel vm11, $0x0, v3  }
0x3b: {  	v20 =	vand.u32 $0x80000000, v7;
	v3 =	vand.u32 $0x7FFFFFFF, v3;
	v16 =	vfloor.f32 v13  }
0x3c: {  	v5 =	vand.u32 $0x7FFFFFFF, v5;
	v3 =	vor.u32 v8, v3;
	v8 =	vmul.f32 $1.200000000e+01, v16  }
0x3d: {  	v6 =	vsel vm13, $0x0, v6;
	v5 =	vor.u32 v9, v5;
	v9 =	vsub.f32 v14, v18  }
0x3e: {  	v6 =	vand.u32 $0x7FFFFFFF, v6;
	v5 =	vtrunc.f32 v5;
	v8 =	vsub.f32 v12, v8  }
0x3f: {  	v6 =	vor.u32 v10, v6;
	v3 =	vtrunc.f32 v3;
	vm15 =	veq.f32 v9, $1.200000000e+01  }
0x40: {  	[tilespmem:$0x260] =	vst v1;
	v3 =	vcvt.f32.s32 v3;
	v21 =	vsel vm15, $0x0, v9;
	vm14 =	veq.f32 v8, $1.200000000e+01  }
0x41: {  	[tilespmem:$0x270] =	vst v2;
	v1 =	vtrunc.f32 v6;
	v22 =	vand.u32 $0x7FFFFFFF, v21;
	v19 =	vsel vm14, $0x0, v8  }
0x42: {  	v1 =	vcvt.f32.s32 v1;
	[tilespmem:$0x290] =	vst v3;
	v3 =	vor.u32 v23, v22;
	v2 =	vand.u32 $0x7FFFFFFF, v19  }
0x43: {  	[tilespmem:$0x280] =	vst v4;
	v5 =	vcvt.f32.s32 v5;
	v3 =	vtrunc.f32 v3;
	v2 =	vor.u32 v20, v2  }
0x44: {  	[tilespmem:$0x2B0] =	vst v1;
	v1 =	vcvt.f32.s32 v3;
	v2 =	vtrunc.f32 v2  }
0x45: {  	[tilespmem:$0x2A0] =	vst v5;
	v2 =	vcvt.f32.s32 v2  }
0x46: {  	[tilespmem:$0x2D0] =	vst v1  }
0x47: {  	[tilespmem:$0x2C0] =	vst v2  }
0x48: {  	[bflag:$0x0] =	sbarrier.arrive $0xFFFF  }
0x49: {  	[tilespmem:s14], [sflag:$0x2] =	stream.indirect.gather [spmem:s2], $0x80, s13, s12, $0xb8;
	[tilespmem:$0x10460] =	vst v63  }
0x4a: {  	v1 =	vld [tilespmem:$0x80]  }
0x4b: {  	v2 =	vld [tilespmem:$0x90]  }
0x4c: {  	v24 =	vld [tilespmem:$0xA0]  }
0x4d: {  	v28 =	vld [tilespmem:$0xB0]  }
0x4e: {  	v33 =	vld [tilespmem:$0xC0]  }
0x4f: {  	v35 =	vld [tilespmem:$0xD0]  }
0x50: {  	v40 =	vld [tilespmem:$0xF0];
	_ =	sdelay $0x1  }
0x51: {  	v1 =	vmul.f32 $1.200000000e+01, v1  }
0x52: {  	v2 =	vmul.f32 $1.200000000e+01, v2;
	v4 =	vmul.f32 $1.200000000e+01, v24  }
0x53: {  	v8 =	vmul.f32 $1.200000000e+01, v28;
	v9 =	vmul.f32 $1.200000000e+01, v33  }
0x54: {  	v10 =	vmul.f32 $1.200000000e+01, v35;
	v11 =	vmul.f32 $1.200000000e+01, v40;
	v3 =	vand.u32 $0x7FFFFFFF, v1  }
0x55: {  	v26 =	vand.u32 $0x7FFFFFFF, v2;
	v30 =	vand.u32 $0x7FFFFFFF, v4;
	v1 =	vand.u32 $0x80000000, v1  }
0x56: {  	v2 =	vand.u32 $0x80000000, v2;
	v4 =	vand.u32 $0x80000000, v4;
	v25 =	vmul.f32 v3, v0  }
0x57: {  	v37 =	vand.u32 $0x7FFFFFFF, v9;
	v41 =	vand.u32 $0x7FFFFFFF, v10;
	v31 =	vmul.f32 v30, v0  }
0x58: {  	v45 =	vand.u32 $0x7FFFFFFF, v11;
	v27 =	vmul.f32 v26, v0;
	v5 =	vfloor.f32 v25  }
0x59: {  	v9 =	vand.u32 $0x80000000, v9;
	v32 =	vfloor.f32 v31;
	v5 =	vmul.f32 $1.200000000e+01, v5  }
0x5a: {  	v10 =	vand.u32 $0x80000000, v10;
	v54 =	vand.u32 $0x80000000, v11;
	v6 =	vmul.f32 $1.200000000e+01, v32  }
0x5b: {  	v46 =	vmul.f32 v45, v0;
	v29 =	vfloor.f32 v27;
	v3 =	vsub.f32 v3, v5  }
0x5c: {  	v38 =	vmul.f32 v37, v0;
	v5 =	vmul.f32 $1.200000000e+01, v29;
	v6 =	vsub.f32 v30, v6  }
0x5d: {  	v42 =	vmul.f32 v41, v0;
	v48 =	vfloor.f32 v46;
	vm4 =	veq.f32 v3, $1.200000000e+01  }
0x5e: {  	v5 =	vsub.f32 v26, v5;
	vm6 =	veq.f32 v6, $1.200000000e+01;
	v3 =	vsel vm4, $0x0, v3  }
0x5f: {  	v49 =	vmul.f32 $1.200000000e+01, v48;
	v6 =	vsel vm6, $0x0, v6;
	v3 =	vand.u32 $0x7FFFFFFF, v3  }
0x60: {  	vm5 =	veq.f32 v5, $1.200000000e+01;
	v1 =	vor.u32 v1, v3;
	v3 =	vand.u32 $0x7FFFFFFF, v8  }
0x61: {  	v39 =	vld [tilespmem:$0xE0];
	v36 =	vand.u32 $0x7FFFFFFF, v6;
	v6 =	vfloor.f32 v42;
	v34 =	vmul.f32 v3, v0  }
0x62: {  	v4 =	vor.u32 v4, v36;
	v6 =	vmul.f32 $1.200000000e+01, v6;
	v1 =	vtrunc.f32 v1  }
0x63: {  	v5 =	vsel vm5, $0x0, v5;
	v4 =	vtrunc.f32 v4;
	v7 =	vfloor.f32 v34  }
0x64: {  	v5 =	vand.u32 $0x7FFFFFFF, v5;
	v1 =	vcvt.f32.s32 v1;
	v7 =	vmul.f32 $1.200000000e+01, v7  }
0x65: {  	v2 =	vor.u32 v2, v5;
	v5 =	vfloor.f32 v38;
	v6 =	vsub.f32 v41, v6  }
0x66: {  	v5 =	vmul.f32 $1.200000000e+01, v5;
	v3 =	vsub.f32 v3, v7;
	v7 =	vmul.f32 $1.200000000e+01, v39  }
0x67: {  	v8 =	vand.u32 $0x80000000, v8;
	v4 =	vcvt.f32.s32 v4;
	v2 =	vtrunc.f32 v2  }
0x68: {  	vm9 =	veq.f32 v6, $1.200000000e+01;
	v5 =	vsub.f32 v37, v5;
	v43 =	vand.u32 $0x7FFFFFFF, v7  }
0x69: {  	v6 =	vsel vm9, $0x0, v6;
	vm7 =	veq.f32 v3, $1.200000000e+01;
	v44 =	vmul.f32 v43, v0  }
0x6a: {  	v6 =	vand.u32 $0x7FFFFFFF, v6;
	vm8 =	veq.f32 v5, $1.200000000e+01;
	v3 =	vsel vm7, $0x0, v3  }
0x6b: {  	v5 =	vsel vm8, $0x0, v5;
	v3 =	vand.u32 $0x7FFFFFFF, v3;
	v47 =	vfloor.f32 v44  }
0x6c: {  	v5 =	vand.u32 $0x7FFFFFFF, v5;
	v3 =	vor.u32 v8, v3;
	v8 =	vmul.f32 $1.200000000e+01, v47  }
0x6d: {  	v6 =	vor.u32 v10, v6;
	v5 =	vor.u32 v9, v5;
	v9 =	vsub.f32 v45, v49  }
0x6e: {  	v2 =	vcvt.f32.s32 v2;
	[tilespmem:$0x2E0] =	vst v1;
	v1 =	vtrunc.f32 v6;
	v8 =	vsub.f32 v43, v8  }
0x6f: {  	v51 =	vand.u32 $0x80000000, v7;
	v3 =	vtrunc.f32 v3;
	vm11 =	veq.f32 v9, $1.200000000e+01  }
0x70: {  	v3 =	vcvt.f32.s32 v3;
	v52 =	vsel vm11, $0x0, v9;
	vm10 =	veq.f32 v8, $1.200000000e+01  }
0x71: {  	[tilespmem:$0x2F0] =	vst v2;
	v1 =	vcvt.f32.s32 v1;
	v53 =	vand.u32 $0x7FFFFFFF, v52;
	v50 =	vsel vm10, $0x0, v8  }
0x72: {  	v5 =	vtrunc.f32 v5;
	[tilespmem:$0x310] =	vst v3;
	v3 =	vor.u32 v54, v53;
	v2 =	vand.u32 $0x7FFFFFFF, v50  }
0x73: {  	[tilespmem:$0x300] =	vst v4;
	v5 =	vcvt.f32.s32 v5;
	v3 =	vtrunc.f32 v3;
	v2 =	vor.u32 v51, v2  }
0x74: {  	[tilespmem:$0x330] =	vst v1;
	v1 =	vcvt.f32.s32 v3;
	v2 =	vtrunc.f32 v2  }
0x75: {  	[tilespmem:$0x320] =	vst v5;
	v2 =	vcvt.f32.s32 v2  }
0x76: {  	[tilespmem:$0x350] =	vst v1  }
0x77: {  	[tilespmem:$0x340] =	vst v2  }
0x78: {  	[tilespmem:s16], [sflag:$0x2] =	stream.indirect.gather [spmem:s2], $0x80, s15, s12, $0xb8;
	[tilespmem:$0x10460] =	vst v63  }
0x79: {  	v1 =	vld [tilespmem:$0x100]  }
0x7a: {  	v2 =	vld [tilespmem:$0x110]  }
0x7b: {  	v55 =	vld [tilespmem:$0x120]  }
0x7c: {  	v59 =	vld [tilespmem:$0x130]  }
0x7d: {  	v12 =	vld [tilespmem:$0x140]  }
0x7e: {  	v14 =	vld [tilespmem:$0x150]  }
0x7f: {  	v19 =	vld [tilespmem:$0x170];
	_ =	sdelay $0x1  }
0x80: {  	v1 =	vmul.f32 $1.200000000e+01, v1  }
0x81: {  	v2 =	vmul.f32 $1.200000000e+01, v2;
	v4 =	vmul.f32 $1.200000000e+01, v55  }
0x82: {  	v8 =	vmul.f32 $1.200000000e+01, v59;
	v9 =	vmul.f32 $1.200000000e+01, v12  }
0x83: {  	v10 =	vmul.f32 $1.200000000e+01, v14;
	v11 =	vmul.f32 $1.200000000e+01, v19;
	v3 =	vand.u32 $0x7FFFFFFF, v1  }
0x84: {  	v57 =	vand.u32 $0x7FFFFFFF, v2;
	v61 =	vand.u32 $0x7FFFFFFF, v4;
	v1 =	vand.u32 $0x80000000, v1  }
0x85: {  	v2 =	vand.u32 $0x80000000, v2;
	v4 =	vand.u32 $0x80000000, v4;
	v56 =	vmul.f32 v3, v0  }
0x86: {  	v16 =	vand.u32 $0x7FFFFFFF, v9;
	v20 =	vand.u32 $0x7FFFFFFF, v10;
	v62 =	vmul.f32 v61, v0  }
0x87: {  	v24 =	vand.u32 $0x7FFFFFFF, v11;
	v58 =	vmul.f32 v57, v0;
	v5 =	vfloor.f32 v56  }
0x88: {  	v9 =	vand.u32 $0x80000000, v9;
	v63 =	vfloor.f32 v62;
	v5 =	vmul.f32 $1.200000000e+01, v5  }
0x89: {  	v10 =	vand.u32 $0x80000000, v10;
	v33 =	vand.u32 $0x80000000, v11;
	v6 =	vmul.f32 $1.200000000e+01, v63  }
0x8a: {  	v25 =	vmul.f32 v24, v0;
	v60 =	vfloor.f32 v58;
	v3 =	vsub.f32 v3, v5  }
0x8b: {  	v17 =	vmul.f32 v16, v0;
	v5 =	vmul.f32 $1.200000000e+01, v60;
	v6 =	vsub.f32 v61, v6  }
0x8c: {  	v21 =	vmul.f32 v20, v0;
	v27 =	vfloor.f32 v25;
	vm12 =	veq.f32 v3, $1.200000000e+01  }
0x8d: {  	v5 =	vsub.f32 v57, v5;
	vm14 =	veq.f32 v6, $1.200000000e+01;
	v3 =	vsel vm12, $0x0, v3  }
0x8e: {  	v28 =	vmul.f32 $1.200000000e+01, v27;
	v6 =	vsel vm14, $0x0, v6;
	v3 =	vand.u32 $0x7FFFFFFF, v3  }
0x8f: {  	vm13 =	veq.f32 v5, $1.200000000e+01;
	v1 =	vor.u32 v1, v3;
	v3 =	vand.u32 $0x7FFFFFFF, v8  }
0x90: {  	v18 =	vld [tilespmem:$0x160];
	v15 =	vand.u32 $0x7FFFFFFF, v6;
	v6 =	vfloor.f32 v21;
	v13 =	vmul.f32 v3, v0  }
0x91: {  	v4 =	vor.u32 v4, v15;
	v6 =	vmul.f32 $1.200000000e+01, v6;
	v1 =	vtrunc.f32 v1  }
0x92: {  	v5 =	vsel vm13, $0x0, v5;
	v4 =	vtrunc.f32 v4;
	v7 =	vfloor.f32 v13  }
0x93: {  	v5 =	vand.u32 $0x7FFFFFFF, v5;
	v1 =	vcvt.f32.s32 v1;
	v7 =	vmul.f32 $1.200000000e+01, v7  }
0x94: {  	v2 =	vor.u32 v2, v5;
	v5 =	vfloor.f32 v17;
	v6 =	vsub.f32 v20, v6  }
0x95: {  	v5 =	vmul.f32 $1.200000000e+01, v5;
	v3 =	vsub.f32 v3, v7;
	v7 =	vmul.f32 $1.200000000e+01, v18  }
0x96: {  	v8 =	vand.u32 $0x80000000, v8;
	v4 =	vcvt.f32.s32 v4;
	v2 =	vtrunc.f32 v2  }
0x97: {  	vm5 =	veq.f32 v6, $1.200000000e+01;
	v5 =	vsub.f32 v16, v5;
	v22 =	vand.u32 $0x7FFFFFFF, v7  }
0x98: {  	v6 =	vsel vm5, $0x0, v6;
	vm15 =	veq.f32 v3, $1.200000000e+01;
	v23 =	vmul.f32 v22, v0  }
0x99: {  	v6 =	vand.u32 $0x7FFFFFFF, v6;
	vm4 =	veq.f32 v5, $1.200000000e+01;
	v3 =	vsel vm15, $0x0, v3  }
0x9a: {  	v5 =	vsel vm4, $0x0, v5;
	v3 =	vand.u32 $0x7FFFFFFF, v3;
	v26 =	vfloor.f32 v23  }
0x9b: {  	v5 =	vand.u32 $0x7FFFFFFF, v5;
	v3 =	vor.u32 v8, v3;
	v8 =	vmul.f32 $1.200000000e+01, v26  }
0x9c: {  	v6 =	vor.u32 v10, v6;
	v5 =	vor.u32 v9, v5;
	v9 =	vsub.f32 v24, v28  }
0x9d: {  	v2 =	vcvt.f32.s32 v2;
	[tilespmem:$0x360] =	vst v1;
	v1 =	vtrunc.f32 v6;
	v8 =	vsub.f32 v22, v8  }
0x9e: {  	v30 =	vand.u32 $0x80000000, v7;
	v3 =	vtrunc.f32 v3;
	vm7 =	veq.f32 v9, $1.200000000e+01  }
0x9f: {  	v3 =	vcvt.f32.s32 v3;
	v31 =	vsel vm7, $0x0, v9;
	vm6 =	veq.f32 v8, $1.200000000e+01  }
0xa0: {  	[tilespmem:$0x370] =	vst v2;
	v1 =	vcvt.f32.s32 v1;
	v32 =	vand.u32 $0x7FFFFFFF, v31;
	v29 =	vsel vm6, $0x0, v8  }
0xa1: {  	v5 =	vtrunc.f32 v5;
	[tilespmem:$0x390] =	vst v3;
	v3 =	vor.u32 v33, v32;
	v2 =	vand.u32 $0x7FFFFFFF, v29  }
0xa2: {  	[tilespmem:$0x380] =	vst v4;
	v5 =	vcvt.f32.s32 v5;
	v3 =	vtrunc.f32 v3;
	v2 =	vor.u32 v30, v2  }
0xa3: {  	[tilespmem:$0x3B0] =	vst v1;
	v1 =	vcvt.f32.s32 v3;
	v2 =	vtrunc.f32 v2  }
0xa4: {  	[tilespmem:$0x3A0] =	vst v5;
	v2 =	vcvt.f32.s32 v2  }
0xa5: {  	[tilespmem:$0x3D0] =	vst v1  }
0xa6: {  	[tilespmem:$0x3C0] =	vst v2  }
0xa7: {  	[tilespmem:s18], [sflag:$0x2] =	stream.indirect.gather [spmem:s2], $0x80, s17, s12, $0xb8;
	[tilespmem:$0x10460] =	vst v63  }
0xa8: {  	v1 =	vld [tilespmem:$0x180]  }
0xa9: {  	v2 =	vld [tilespmem:$0x190]  }
0xaa: {  	v36 =	vld [tilespmem:$0x1A0]  }
0xab: {  	v39 =	vld [tilespmem:$0x1B0]  }
0xac: {  	v40 =	vld [tilespmem:$0x1C0]  }
0xad: {  	v41 =	vld [tilespmem:$0x1D0]  }
0xae: {  	v46 =	vld [tilespmem:$0x1E0]  }
0xaf: {  	v53 =	vld [tilespmem:$0x1F0];
	_ =	sdelay $0x1  }
0xb0: {  	v1 =	vmul.f32 $1.200000000e+01, v1;
	v2 =	vmul.f32 $1.200000000e+01, v2  }
0xb1: {  	v6 =	vmul.f32 $1.200000000e+01, v36;
	v7 =	vmul.f32 $1.200000000e+01, v39  }
0xb2: {  	v8 =	vmul.f32 $1.200000000e+01, v40;
	v5 =	vmul.f32 $1.200000000e+01, v41  }
0xb3: {  	v11 =	vmul.f32 $1.200000000e+01, v46;
	v14 =	vmul.f32 $1.200000000e+01, v53  }
0xb4: {  	v3 =	vand.u32 $0x7FFFFFFF, v1;
	v35 =	vand.u32 $0x7FFFFFFF, v2;
	v1 =	vand.u32 $0x80000000, v1  }
0xb5: {  	v42 =	vand.u32 $0x7FFFFFFF, v6;
	v45 =	vand.u32 $0x7FFFFFFF, v7;
	v2 =	vand.u32 $0x80000000, v2  }
0xb6: {  	v48 =	vand.u32 $0x7FFFFFFF, v8;
	v50 =	vand.u32 $0x7FFFFFFF, v5;
	v34 =	vmul.f32 v3, v0  }
0xb7: {  	v55 =	vand.u32 $0x7FFFFFFF, v11;
	v37 =	vmul.f32 v35, v0;
	v43 =	vmul.f32 v42, v0  }
0xb8: {  	v6 =	vand.u32 $0x80000000, v6;
	v47 =	vmul.f32 v45, v0;
	v49 =	vmul.f32 v48, v0  }
0xb9: {  	v57 =	vand.u32 $0x7FFFFFFF, v14;
	v52 =	vmul.f32 v50, v0;
	v56 =	vmul.f32 v55, v0  }
0xba: {  	v7 =	vand.u32 $0x80000000, v7;
	v58 =	vmul.f32 v57, v0;
	v4 =	vfloor.f32 v34  }
0xbb: {  	v8 =	vand.u32 $0x80000000, v8;
	v38 =	vfloor.f32 v37;
	v44 =	vfloor.f32 v43  }
0xbc: {  	v5 =	vand.u32 $0x80000000, v5;
	v12 =	vfloor.f32 v47;
	v13 =	vfloor.f32 v56  }
0xbd: {  	v60 =	vand.u32 $0x80000000, v11;
	v4 =	vmul.f32 $1.200000000e+01, v4;
	v51 =	vmul.f32 $1.200000000e+01, v12  }
0xbe: {  	v62 =	vand.u32 $0x80000000, v14;
	v12 =	vfloor.f32 v52;
	v13 =	vmul.f32 $1.200000000e+01, v13  }
0xbf: {  	v54 =	vmul.f32 $1.200000000e+01, v12;
	v3 =	vsub.f32 v3, v4;
	v4 =	vmul.f32 $1.200000000e+01, v38  }
0xc0: {  	v9 =	vsub.f32 v45, v51;
	v12 =	vsub.f32 v55, v13;
	v13 =	vfloor.f32 v58  }
0xc1: {  	v10 =	vsub.f32 v50, v54;
	v13 =	vmul.f32 $1.200000000e+01, v13;
	vm8 =	veq.f32 v3, $1.200000000e+01  }
0xc2: {  	v4 =	vsub.f32 v35, v4;
	vm11 =	veq.f32 v9, $1.200000000e+01;
	vm14 =	veq.f32 v12, $1.200000000e+01  }
0xc3: {  	v3 =	vsel vm8, $0x0, v3;
	v9 =	vsel vm11, $0x0, v9;
	vm13 =	veq.f32 v10, $1.200000000e+01  }
0xc4: {  	v59 =	vsel vm14, $0x0, v12;
	v3 =	vand.u32 $0x7FFFFFFF, v3;
	vm9 =	veq.f32 v4, $1.200000000e+01  }
0xc5: {  	v10 =	vsel vm13, $0x0, v10;
	v1 =	vor.u32 v1, v3;
	v3 =	vsel vm9, $0x0, v4  }
0xc6: {  	v9 =	vand.u32 $0x7FFFFFFF, v9;
	v4 =	vmul.f32 $1.200000000e+01, v44;
	v3 =	vand.u32 $0x7FFFFFFF, v3  }
0xc7: {  	v10 =	vand.u32 $0x7FFFFFFF, v10;
	v2 =	vor.u32 v2, v3;
	v3 =	vfloor.f32 v49  }
0xc8: {  	v1 =	vtrunc.f32 v1;
	v4 =	vsub.f32 v42, v4;
	v3 =	vmul.f32 $1.200000000e+01, v3  }
0xc9: {  	v7 =	vor.u32 v7, v9;
	v5 =	vor.u32 v5, v10;
	v1 =	vcvt.f32.s32 v1  }
0xca: {  	v2 =	vtrunc.f32 v2;
	vm10 =	veq.f32 v4, $1.200000000e+01;
	v3 =	vsub.f32 v48, v3  }
0xcb: {  	v61 =	vtrunc.f32 v5;
	v2 =	vcvt.f32.s32 v2;
	v4 =	vsel vm10, $0x0, v4  }
0xcc: {  	[tilespmem:$0x3E0] =	vst v1;
	v1 =	vtrunc.f32 v7;
	v4 =	vand.u32 $0x7FFFFFFF, v4;
	vm12 =	veq.f32 v3, $1.200000000e+01  }
0xcd: {  	v4 =	vor.u32 v6, v4;
	v6 =	vsub.f32 v57, v13;
	v3 =	vsel vm12, $0x0, v3  }
0xce: {  	v1 =	vcvt.f32.s32 v1;
	v4 =	vtrunc.f32 v4;
	v3 =	vand.u32 $0x7FFFFFFF, v3  }
0xcf: {  	v4 =	vcvt.f32.s32 v4;
	vm15 =	veq.f32 v6, $1.200000000e+01;
	v3 =	vor.u32 v8, v3  }
0xd0: {  	[tilespmem:$0x3F0] =	vst v2;
	v8 =	vand.u32 $0x7FFFFFFF, v59;
	v2 =	vsel vm15, $0x0, v6;
	v3 =	vtrunc.f32 v3  }
0xd1: {  	[tilespmem:$0x410] =	vst v1;
	v8 =	vor.u32 v60, v8;
	v2 =	vand.u32 $0x7FFFFFFF, v2;
	v3 =	vcvt.f32.s32 v3  }
0xd2: {  	[tilespmem:$0x400] =	vst v4;
	v1 =	vor.u32 v62, v2;
	v2 =	vcvt.f32.s32 v61;
	v63 =	vtrunc.f32 v8  }
0xd3: {  	v1 =	vtrunc.f32 v1;
	[tilespmem:$0x420] =	vst v3;
	v3 =	vcvt.f32.s32 v63  }
0xd4: {  	[tilespmem:$0x430] =	vst v2;
	v1 =	vcvt.f32.s32 v1  }
0xd5: {  	[tilespmem:$0x440] =	vst v3  }
0xd6: {  	[tilespmem:$0x450] =	vst v1  }
0xd7: {  	[tilespmem:s20], [sflag:$0x2] =	stream.indirect.gather [spmem:s2], $0x80, s19, s12, $0xb8;
	[tilespmem:$0x10460] =	vst v63  }
0xd8: {  	_ =	swait.ge [sflag:s21], $0x4000  }
0xd9: {  	[sflag:s21] =	ssyncset.done $0x0  }
0xda: {  	[sflag:s21] =	ssyncadd.s32 $0xFFFFC000  }
0xdb: {  	[hbm4b:s5+s3] =	stream.linear.scatter [tilespmem:s14], [sflag:$0x3], $0x4000, $0x38;
	[tilespmem:$0x10460] =	vst v63  }
0xdc: {  	_ =	swait.ge [sflag:s21], $0x4000  }
0xdd: {  	[sflag:s21] =	ssyncset.done $0x0  }
0xde: {  	[sflag:s21] =	ssyncadd.s32 $0xFFFFC000  }
0xdf: {  	[hbm4b:s6+s3] =	stream.linear.scatter [tilespmem:s16], [sflag:$0x3], $0x4000, $0x38;
	[tilespmem:$0x10460] =	vst v63  }
0xe0: {  	_ =	swait.ge [sflag:s21], $0x4000  }
0xe1: {  	[sflag:s21] =	ssyncset.done $0x0  }
0xe2: {  	[sflag:s21] =	ssyncadd.s32 $0xFFFFC000  }
0xe3: {  	[hbm4b:s7+s3] =	stream.linear.scatter [tilespmem:s18], [sflag:$0x3], $0x4000, $0x38;
	[tilespmem:$0x10460] =	vst v63  }
0xe4: {  	_ =	swait.ge [sflag:s21], $0x4000  }
0xe5: {  	[sflag:s21] =	ssyncset.done $0x0  }
0xe6: {  	[sflag:s21] =	ssyncadd.s32 $0xFFFFC000  }
0xe7: {  	[hbm4b:s8+s3] =	stream.linear.scatter [tilespmem:s20], [sflag:$0x3], $0x4000, $0x38;
	[tilespmem:$0x10460] =	vst v63  }
0xe8: {  	_ =	swait.ge [sflag:s22], $0x4000  }
0xe9: {  	[sflag:s22] =	ssyncset.done $0x0  }
0xea: {  	[sflag:s22] =	ssyncadd.s32 $0xFFFFC000  }
0xeb: {  	_ =	swait.ge [sflag:s22], $0x4000  }
0xec: {  	[sflag:s22] =	ssyncset.done $0x0  }
0xed: {  	s9 =	sadd.s32 $0xFFFFFFFF, s9;
	[sflag:s22] =	ssyncadd.s32 $0xFFFFC000  }
0xee: {  	p1 =	sne.s32 s9, $0x0;
	_ =	swait.ge [sflag:s22], $0x4000  }
.Ltmp0:
0xef: {  	[sflag:s22] =	ssyncset.done $0x0;
	(pc) =	sbr.rel @p1 .LBB2_1-.Ltmp0, $4  }
0xf0: {  	[sflag:s22] =	ssyncadd.s32 $0xFFFFC000  }
0xf1: {  	_ =	swait.ge [sflag:s22], $0x4000  }
0xf2: {  	[sflag:s22] =	ssyncset.done $0x0  }
0xf3: {  	[sflag:s22] =	ssyncadd.s32 $0xFFFFC000  }
0xf4: {  	_ =	sfence.sel $0x180000  }
0xf5: {  	[bflag:$0x0] =	sbarrier.arrive $0xFFFF  }
0xf6: {  	_ =	strace $0x90000047  }
0xf7: {  	s0 =	sadd.s32 @!p0 $0x100000, s0;
	[bflag:$0x2] =	sbarrier.arrive $0xFFFF  }
0xf8: {  	[sflag:s0] =	ssyncadd.tile.s32 @!p0 $0x1;
	_ =	shalt  }
.Lfunc_end2:
_tile_overlayer_lowered:
.L_overlay_start_2:
0xf9: {  	(tag) =	ssettag $0x2  }
0xfa: {  	s0 =	rddreg [dreg:$0x0];
	s2 =	stileid.u32  }
0xfb: {  	s1 =	rddreg [dreg:$0x1];
	p0 =	sne.s32 s2, $0x0  }
0xfc: {  	s3 =	rddreg [dreg:$0x2];
	[bflag:$0x3] =	sbarrier.arrive $0xFFFF;
	s2 =	simm.s32 @!p0 $0x1C04  }
0xfd: {  	[timem:s3], [sflag:s2] =	dma.local @!p0 [hbm:s0], s1  }
0xfe: {  	s0 =	simm.s32 @!p0 $0x4  }
0xff: {  	_ =	swait.ge @!p0 [sflag:s0], s1  }
0x100: {  	s1 =	ssub.s32 @!p0 $0x0, s1;
	[sflag:s0] =	ssyncset.done @!p0 $0x0  }
0x101: {  	[sflag:s0] =	ssyncadd.s32 @!p0 s1  }
0x102: {  	[bflag:$0x3] =	sbarrier.arrive $0xFFFF  }
0x103: {  	_ =	shalt  }

</sc_bundles>
